<compile_context>
chip_gen: v7x
topology: tpu7x:2x2x1
jax: 0.10.2.dev20260603
libtpu: 0.0.44.dev20260713+nightly
codegen_flags: <defaults>
</compile_context>

<pallas_src>
import functools

import jax
import jax.numpy as jnp
from jax import lax
from jax.experimental import pallas as pl
from jax.experimental.pallas import tpu as pltpu
from jax.experimental.pallas import tpu_sc as plsc

EMBED_DIM = 32
BATCH = 16384

NUM_CORES = 2
NUM_SUBCORES = 16
NUM_WORKERS = NUM_CORES * NUM_SUBCORES
B_PER_W = BATCH // NUM_WORKERS

_mesh = plsc.VectorSubcoreMesh(core_axis_name="c", subcore_axis_name="s")


@functools.partial(
    pl.kernel,
    mesh=_mesh,
    out_type=jax.ShapeDtypeStruct((4, 128, 8, 128), jnp.float32),
    scratch_types=[
        pltpu.VMEM((B_PER_W,), jnp.int32),
        pltpu.VMEM((B_PER_W, EMBED_DIM), jnp.float32),
        pltpu.VMEM((B_PER_W, EMBED_DIM + 1), jnp.float32),
        pltpu.VMEM((4, 4, 8, 128), jnp.float32),
        pltpu.SemaphoreType.DMA,
    ],
    compiler_params=pltpu.CompilerParams(
        use_tc_tiling_on_sc=False, needs_layout_passes=False
    ),
)
def _embed_gather(idx_hbm, table_hbm, out_hbm, idx_v, rows_v, rows_p, outbuf, sem):
    wid = lax.axis_index("s") * NUM_CORES + lax.axis_index("c")
    base = wid * B_PER_W
    pltpu.sync_copy(idx_hbm.at[pl.ds(base, B_PER_W)], idx_v)
    pltpu.async_copy(table_hbm.at[idx_v], rows_v, sem).wait()

    @plsc.parallel_loop(0, B_PER_W, step=1, unroll=8)
    def _repitch(r):
        rows_p[r, pl.ds(0, 16)] = rows_v[r, pl.ds(0, 16)]
        rows_p[r, pl.ds(16, 16)] = rows_v[r, pl.ds(16, 16)]

    iota = lax.iota(jnp.int32, 16)
    cols = [jnp.full((16,), j, jnp.int32) for j in range(EMBED_DIM)]

    @plsc.parallel_loop(0, B_PER_W // 16, step=1, unroll=8)
    def _transpose(g):
        rowsel = iota + g * 16
        jt = g // 8
        boff = (g % 8) * 16
        for j in range(EMBED_DIM):
            v = plsc.load_gather(rows_p, [rowsel, cols[j]])
            outbuf[j // 8, jt, j % 8, pl.ds(boff, 16)] = v

    jt0 = base // 128
    for ib in range(4):
        pltpu.sync_copy(outbuf.at[ib], out_hbm.at[ib, pl.ds(jt0, 4)])


def kernel(user_id, table):
    out4 = _embed_gather(user_id, table)
    return out4.transpose(1, 3, 0, 2).reshape(BATCH, EMBED_DIM)

# --- scband reference (transcript-rebuilt; emitter-appended) ---
"""Pipeline reference for scband-user-model-34961033789969 (READ-ONLY COPY).

The authoritative reference and input builder live on the scoring server;
editing this copy changes nothing except your own understanding.
"""

import jax, jax.numpy as jnp
import numpy as np

VOCAB = 1000          # len(unique_user_ids)
TABLE_ROWS = VOCAB + 1  # StringLookup OOV bucket adds one row (index 0 is OOV)
EMBED_DIM = 32
BATCH = 16384


def setup_inputs(seed: int = 0) -> dict:
    key = jax.random.key(seed)
    k1, k2 = jax.random.split(key)
    # StringLookup(vocabulary=unique_user_ids, mask_token=None) maps each user-id
    # string to an integer index in [0, VOCAB] (0 = OOV). We model the string
    # lookup result directly as in-range integer indices.
    user_id = jax.random.randint(k1, (BATCH,), 0, VOCAB, dtype=jnp.int32)
    # Embedding(input_dim=VOCAB+1, output_dim=32) weight table.
    table = jax.random.normal(k2, (TABLE_ROWS, EMBED_DIM), dtype=jnp.float32) * 0.05
    return {"user_id": user_id, "table": table}


def reference(user_id, table):
    # UserModel.call: embed_user_id(user_id) == Embedding(StringLookup(user_id))
    # StringLookup already applied (user_id are integer indices); Embedding is a
    # row gather from the table.
    return jnp.take(table, user_id, axis=0)

if __name__ == "__main__":
    import jax
    _d = setup_inputs()
    print(jax.jit(kernel)(*tuple(_d.values())))

</pallas_src>

<mosaic_0001>
#map = affine_map<(d0, d1) -> (0)>
#map1 = affine_map<(d0, d1) -> (0, 0)>
#map2 = affine_map<(d0, d1) -> (0, 0, 0, 0)>
module attributes {stable_mosaic.version = 14 : i64} {
  func.func @_embed_gather(%arg0: i32, %arg1: i32, %arg2: memref<16384xi32, #tpu.memory_space<hbm>>, %arg3: memref<1001x32xf32, #tpu.memory_space<hbm>>, %arg4: memref<4x128x8x128xf32, #tpu.memory_space<hbm>>, %arg5: memref<512xi32, #tpu.memory_space<vmem>>, %arg6: memref<512x32xf32, #tpu.memory_space<vmem>>, %arg7: memref<512x33xf32, #tpu.memory_space<vmem>>, %arg8: memref<4x4x8x128xf32, #tpu.memory_space<vmem>>, %arg9: memref<!tpu.dma_semaphore, #tpu.memory_space<semaphore_mem>>) attributes {dimension_semantics = [#tpu.dimension_semantics<core_parallel>, #tpu.dimension_semantics<subcore_parallel>], iteration_bounds = array<i64: 2, 16>, scalar_prefetch = 0 : i64, scratch_operands = 5 : i64, tpu.core_type = #tpu.core_type<sc_vector_subcore>, window_params = [{transform_indices = #map}, {transform_indices = #map1}, {transform_indices = #map2}]} {
    %mul3A = arith.constant 2 : i32
    %mul3A_0 = arith.muli %arg1, %mul3A : i32
    %add3A = arith.addi %mul3A_0, %arg0 : i32
    %mul3A_1 = arith.constant 512 : i32
    %mul3A_2 = arith.muli %add3A, %mul3A_1 : i32
    "tpu.region"() ({
      %run_scoped3A_98 = tpu.sem_alloc : memref<!tpu.dma_semaphore, #tpu.memory_space<semaphore_mem>>
      %dma_start3A_99 = tpu.memref_slice %arg2[%mul3A_2] : memref<16384xi32, #tpu.memory_space<hbm>> -> memref<512xi32, #tpu.memory_space<hbm>>
      %dma_start3A_100 = tpu.memref_slice %arg2[%mul3A_2] : memref<16384xi32, #tpu.memory_space<hbm>> -> memref<512xi32, #tpu.memory_space<hbm>>
      tpu.enqueue_dma source(%dma_start3A_100 : memref<512xi32, #tpu.memory_space<hbm>>) target(%arg5 : memref<512xi32, #tpu.memory_space<vmem>>) target_semaphore(%run_scoped3A_98 : memref<!tpu.dma_semaphore, #tpu.memory_space<semaphore_mem>>)
      %dma_wait3A_101 = tpu.memref_slice %arg2[%mul3A_2] : memref<16384xi32, #tpu.memory_space<hbm>> -> memref<512xi32, #tpu.memory_space<hbm>>
      %dma_wait3A_102 = tpu.memref_slice %arg2[%mul3A_2] : memref<16384xi32, #tpu.memory_space<hbm>> -> memref<512xi32, #tpu.memory_space<hbm>>
      tpu.wait_dma2 semaphore(%run_scoped3A_98 : memref<!tpu.dma_semaphore, #tpu.memory_space<semaphore_mem>>) src(%dma_wait3A_102 : memref<512xi32, #tpu.memory_space<hbm>>) dst(%arg5 : memref<512xi32, #tpu.memory_space<vmem>>)
      tpu.yield
    }) : () -> ()
    %dma_start3A = arith.constant 0 : i32
    %dma_start3A_3 = arith.constant 0 : i32
    %dma_start3A_4 = tpu.memref_slice %arg3[%dma_start3A, %dma_start3A_3] : memref<1001x32xf32, #tpu.memory_space<hbm>> -> memref<1001x32xf32, #tpu.memory_space<hbm>>
    tpu.enqueue_indirect_dma source(%dma_start3A_4 : memref<1001x32xf32, #tpu.memory_space<hbm>>) target(%arg6 : memref<512x32xf32, #tpu.memory_space<vmem>>) offsets(%arg5 : memref<512xi32, #tpu.memory_space<vmem>>) semaphore(%arg9 : memref<!tpu.dma_semaphore, #tpu.memory_space<semaphore_mem>>)
    %dma_wait3A = arith.constant 0 : i32
    %dma_wait3A_5 = arith.constant 0 : i32
    %dma_wait3A_6 = tpu.memref_slice %arg3[%dma_wait3A, %dma_wait3A_5] : memref<1001x32xf32, #tpu.memory_space<hbm>> -> memref<1001x32xf32, #tpu.memory_space<hbm>>
    tpu.wait_indirect_dma semaphore(%arg9 : memref<!tpu.dma_semaphore, #tpu.memory_space<semaphore_mem>>) src(%dma_wait3A_6 : memref<1001x32xf32, #tpu.memory_space<hbm>>) dst(%arg6 : memref<512x32xf32, #tpu.memory_space<vmem>>)
    %parallel_loop3A = arith.constant 0 : i32
    %parallel_loop3A_7 = arith.constant 512 : i32
    %parallel_loop3A_8 = arith.constant 1 : i32
    scf.for %parallel_loop3A_98 = %parallel_loop3A to %parallel_loop3A_7 step %parallel_loop3A_8  : i32 {
      %parallel_loop3A_99 = arith.index_cast %parallel_loop3A_98 : i32 to index
      %parallel_loop3A_100 = arith.constant 0 : index
      %parallel_loop3A_101 = tpu.vector_load %arg6[%parallel_loop3A_99, %parallel_loop3A_100] {strides = array<i32>} : memref<512x32xf32, #tpu.memory_space<vmem>>, vector<16xf32>,
      %parallel_loop3A_102 = arith.index_cast %parallel_loop3A_98 : i32 to index
      %parallel_loop3A_103 = arith.constant 0 : index
      %parallel_loop3A_104 = tpu.vector_load %arg7[%parallel_loop3A_102, %parallel_loop3A_103] {strides = array<i32>} : memref<512x33xf32, #tpu.memory_space<vmem>>, vector<16xf32>,
      tpu.vector_store %arg7[%parallel_loop3A_102, %parallel_loop3A_103], %parallel_loop3A_101 {strides = array<i32>} : memref<512x33xf32, #tpu.memory_space<vmem>>, vector<16xf32>,
      %parallel_loop3A_105 = arith.index_cast %parallel_loop3A_98 : i32 to index
      %parallel_loop3A_106 = arith.constant 16 : index
      %parallel_loop3A_107 = tpu.vector_load %arg6[%parallel_loop3A_105, %parallel_loop3A_106] {strides = array<i32>} : memref<512x32xf32, #tpu.memory_space<vmem>>, vector<16xf32>,
      %parallel_loop3A_108 = arith.index_cast %parallel_loop3A_98 : i32 to index
      %parallel_loop3A_109 = arith.constant 16 : index
      %parallel_loop3A_110 = tpu.vector_load %arg7[%parallel_loop3A_108, %parallel_loop3A_109] {strides = array<i32>} : memref<512x33xf32, #tpu.memory_space<vmem>>, vector<16xf32>,
      tpu.vector_store %arg7[%parallel_loop3A_108, %parallel_loop3A_109], %parallel_loop3A_107 {strides = array<i32>} : memref<512x33xf32, #tpu.memory_space<vmem>>, vector<16xf32>,
    } {sc.loop_unroll_factor = 8 : i64, sc.parallel_access}
    %iota3A = tpu.iota {dimensions = array<i32: 0>} : vector<16xi32>
    %broadcast_in_dim3A = arith.constant 0 : i32
    %broadcast_in_dim3A_9 = vector.broadcast %broadcast_in_dim3A : i32 to vector<16xi32>
    %broadcast_in_dim3A_10 = arith.constant 1 : i32
    %broadcast_in_dim3A_11 = vector.broadcast %broadcast_in_dim3A_10 : i32 to vector<16xi32>
    %broadcast_in_dim3A_12 = arith.constant 2 : i32
    %broadcast_in_dim3A_13 = vector.broadcast %broadcast_in_dim3A_12 : i32 to vector<16xi32>
    %broadcast_in_dim3A_14 = arith.constant 3 : i32
    %broadcast_in_dim3A_15 = vector.broadcast %broadcast_in_dim3A_14 : i32 to vector<16xi32>
    %broadcast_in_dim3A_16 = arith.constant 4 : i32
    %broadcast_in_dim3A_17 = vector.broadcast %broadcast_in_dim3A_16 : i32 to vector<16xi32>
    %broadcast_in_dim3A_18 = arith.constant 5 : i32
    %broadcast_in_dim3A_19 = vector.broadcast %broadcast_in_dim3A_18 : i32 to vector<16xi32>
    %broadcast_in_dim3A_20 = arith.constant 6 : i32
    %broadcast_in_dim3A_21 = vector.broadcast %broadcast_in_dim3A_20 : i32 to vector<16xi32>
    %broadcast_in_dim3A_22 = arith.constant 7 : i32
    %broadcast_in_dim3A_23 = vector.broadcast %broadcast_in_dim3A_22 : i32 to vector<16xi32>
    %broadcast_in_dim3A_24 = arith.constant 8 : i32
    %broadcast_in_dim3A_25 = vector.broadcast %broadcast_in_dim3A_24 : i32 to vector<16xi32>
    %broadcast_in_dim3A_26 = arith.constant 9 : i32
    %broadcast_in_dim3A_27 = vector.broadcast %broadcast_in_dim3A_26 : i32 to vector<16xi32>
    %broadcast_in_dim3A_28 = arith.constant 10 : i32
    %broadcast_in_dim3A_29 = vector.broadcast %broadcast_in_dim3A_28 : i32 to vector<16xi32>
    %broadcast_in_dim3A_30 = arith.constant 11 : i32
    %broadcast_in_dim3A_31 = vector.broadcast %broadcast_in_dim3A_30 : i32 to vector<16xi32>
    %broadcast_in_dim3A_32 = arith.constant 12 : i32
    %broadcast_in_dim3A_33 = vector.broadcast %broadcast_in_dim3A_32 : i32 to vector<16xi32>
    %broadcast_in_dim3A_34 = arith.constant 13 : i32
    %broadcast_in_dim3A_35 = vector.broadcast %broadcast_in_dim3A_34 : i32 to vector<16xi32>
    %broadcast_in_dim3A_36 = arith.constant 14 : i32
    %broadcast_in_dim3A_37 = vector.broadcast %broadcast_in_dim3A_36 : i32 to vector<16xi32>
    %broadcast_in_dim3A_38 = arith.constant 15 : i32
    %broadcast_in_dim3A_39 = vector.broadcast %broadcast_in_dim3A_38 : i32 to vector<16xi32>
    %broadcast_in_dim3A_40 = arith.constant 16 : i32
    %broadcast_in_dim3A_41 = vector.broadcast %broadcast_in_dim3A_40 : i32 to vector<16xi32>
    %broadcast_in_dim3A_42 = arith.constant 17 : i32
    %broadcast_in_dim3A_43 = vector.broadcast %broadcast_in_dim3A_42 : i32 to vector<16xi32>
    %broadcast_in_dim3A_44 = arith.constant 18 : i32
    %broadcast_in_dim3A_45 = vector.broadcast %broadcast_in_dim3A_44 : i32 to vector<16xi32>
    %broadcast_in_dim3A_46 = arith.constant 19 : i32
    %broadcast_in_dim3A_47 = vector.broadcast %broadcast_in_dim3A_46 : i32 to vector<16xi32>
    %broadcast_in_dim3A_48 = arith.constant 20 : i32
    %broadcast_in_dim3A_49 = vector.broadcast %broadcast_in_dim3A_48 : i32 to vector<16xi32>
    %broadcast_in_dim3A_50 = arith.constant 21 : i32
    %broadcast_in_dim3A_51 = vector.broadcast %broadcast_in_dim3A_50 : i32 to vector<16xi32>
    %broadcast_in_dim3A_52 = arith.constant 22 : i32
    %broadcast_in_dim3A_53 = vector.broadcast %broadcast_in_dim3A_52 : i32 to vector<16xi32>
    %broadcast_in_dim3A_54 = arith.constant 23 : i32
    %broadcast_in_dim3A_55 = vector.broadcast %broadcast_in_dim3A_54 : i32 to vector<16xi32>
    %broadcast_in_dim3A_56 = arith.constant 24 : i32
    %broadcast_in_dim3A_57 = vector.broadcast %broadcast_in_dim3A_56 : i32 to vector<16xi32>
    %broadcast_in_dim3A_58 = arith.constant 25 : i32
    %broadcast_in_dim3A_59 = vector.broadcast %broadcast_in_dim3A_58 : i32 to vector<16xi32>
    %broadcast_in_dim3A_60 = arith.constant 26 : i32
    %broadcast_in_dim3A_61 = vector.broadcast %broadcast_in_dim3A_60 : i32 to vector<16xi32>
    %broadcast_in_dim3A_62 = arith.constant 27 : i32
    %broadcast_in_dim3A_63 = vector.broadcast %broadcast_in_dim3A_62 : i32 to vector<16xi32>
    %broadcast_in_dim3A_64 = arith.constant 28 : i32
    %broadcast_in_dim3A_65 = vector.broadcast %broadcast_in_dim3A_64 : i32 to vector<16xi32>
    %broadcast_in_dim3A_66 = arith.constant 29 : i32
    %broadcast_in_dim3A_67 = vector.broadcast %broadcast_in_dim3A_66 : i32 to vector<16xi32>
    %broadcast_in_dim3A_68 = arith.constant 30 : i32
    %broadcast_in_dim3A_69 = vector.broadcast %broadcast_in_dim3A_68 : i32 to vector<16xi32>
    %broadcast_in_dim3A_70 = arith.constant 31 : i32
    %broadcast_in_dim3A_71 = vector.broadcast %broadcast_in_dim3A_70 : i32 to vector<16xi32>
    %parallel_loop3A_72 = arith.constant 0 : i32
    %parallel_loop3A_73 = arith.constant 32 : i32
    %parallel_loop3A_74 = arith.constant 1 : i32
    scf.for %parallel_loop3A_98 = %parallel_loop3A_72 to %parallel_loop3A_73 step %parallel_loop3A_74  : i32 {
      %parallel_loop3A_99 = arith.constant 16 : i32
      %parallel_loop3A_100 = arith.muli %parallel_loop3A_98, %parallel_loop3A_99 : i32
      %parallel_loop3A_101 = vector.broadcast %parallel_loop3A_100 : i32 to vector<16xi32>
      %parallel_loop3A_102 = arith.addi %iota3A, %parallel_loop3A_101 : vector<16xi32>
      %parallel_loop3A_103 = arith.constant 8 : i32
      %parallel_loop3A_104 = arith.divsi %parallel_loop3A_98, %parallel_loop3A_103 : i32
      %parallel_loop3A_105 = arith.constant 0 : i32
      %parallel_loop3A_106 = arith.cmpi sgt, %parallel_loop3A_98, %parallel_loop3A_105 : i32
      %parallel_loop3A_107 = arith.extui %parallel_loop3A_106 : i1 to i32
      %parallel_loop3A_108 = arith.constant 0 : i32
      %parallel_loop3A_109 = arith.cmpi slt, %parallel_loop3A_98, %parallel_loop3A_108 : i32
      %parallel_loop3A_110 = arith.extui %parallel_loop3A_109 : i1 to i32
      %parallel_loop3A_111 = arith.subi %parallel_loop3A_107, %parallel_loop3A_110 : i32
      %parallel_loop3A_112 = arith.constant 0 : i32
      %parallel_loop3A_113 = arith.cmpi sgt, %parallel_loop3A_103, %parallel_loop3A_112 : i32
      %parallel_loop3A_114 = arith.extui %parallel_loop3A_113 : i1 to i32
      %parallel_loop3A_115 = arith.constant 0 : i32
      %parallel_loop3A_116 = arith.cmpi slt, %parallel_loop3A_103, %parallel_loop3A_115 : i32
      %parallel_loop3A_117 = arith.extui %parallel_loop3A_116 : i1 to i32
      %parallel_loop3A_118 = arith.subi %parallel_loop3A_114, %parallel_loop3A_117 : i32
      %parallel_loop3A_119 = arith.cmpi ne, %parallel_loop3A_111, %parallel_loop3A_118 : i32
      %parallel_loop3A_120 = arith.remsi %parallel_loop3A_98, %parallel_loop3A_103 : i32
      %parallel_loop3A_121 = arith.constant 0 : i32
      %parallel_loop3A_122 = arith.cmpi ne, %parallel_loop3A_120, %parallel_loop3A_121 : i32
      %parallel_loop3A_123 = arith.andi %parallel_loop3A_119, %parallel_loop3A_122 : i1
      %parallel_loop3A_124 = arith.constant 1 : i32
      %parallel_loop3A_125 = arith.subi %parallel_loop3A_104, %parallel_loop3A_124 : i32
      %parallel_loop3A_126 = arith.select %parallel_loop3A_123, %parallel_loop3A_125, %parallel_loop3A_104 : i32
      %parallel_loop3A_127 = arith.constant 8 : i32
      %parallel_loop3A_128 = arith.constant 0 : i32
      %parallel_loop3A_129 = arith.cmpi eq, %parallel_loop3A_127, %parallel_loop3A_128 : i32
      %parallel_loop3A_130 = arith.constant 1 : i32
      %parallel_loop3A_131 = arith.select %parallel_loop3A_129, %parallel_loop3A_130, %parallel_loop3A_127 : i32
      %parallel_loop3A_132 = arith.remsi %parallel_loop3A_98, %parallel_loop3A_131 : i32
      %parallel_loop3A_133 = arith.constant 0 : i32
      %parallel_loop3A_134 = arith.cmpi ne, %parallel_loop3A_132, %parallel_loop3A_133 : i32
      %parallel_loop3A_135 = arith.constant 0 : i32
      %parallel_loop3A_136 = arith.cmpi slt, %parallel_loop3A_132, %parallel_loop3A_135 : i32
      %parallel_loop3A_137 = arith.constant 0 : i32
      %parallel_loop3A_138 = arith.cmpi slt, %parallel_loop3A_131, %parallel_loop3A_137 : i32
      %parallel_loop3A_139 = arith.xori %parallel_loop3A_136, %parallel_loop3A_138 : i1
      %parallel_loop3A_140 = arith.andi %parallel_loop3A_139, %parallel_loop3A_134 : i1
      %parallel_loop3A_141 = arith.addi %parallel_loop3A_132, %parallel_loop3A_131 : i32
      %parallel_loop3A_142 = arith.select %parallel_loop3A_140, %parallel_loop3A_141, %parallel_loop3A_132 : i32
      %parallel_loop3A_143 = arith.constant 16 : i32
      %parallel_loop3A_144 = arith.muli %parallel_loop3A_142, %parallel_loop3A_143 : i32
      %parallel_loop3A_145 = tpu.vector_load_idx %arg7[%parallel_loop3A_102, %broadcast_in_dim3A_9] : memref<512x33xf32, #tpu.memory_space<vmem>>[vector<16xi32>, vector<16xi32>], vector<16xf32>,
      %parallel_loop3A_146 = arith.constant 0 : i32
      %parallel_loop3A_147 = arith.constant 0 : i32
      %parallel_loop3A_148 = arith.index_cast %parallel_loop3A_146 : i32 to index
      %parallel_loop3A_149 = arith.index_cast %parallel_loop3A_126 : i32 to index
      %parallel_loop3A_150 = arith.index_cast %parallel_loop3A_147 : i32 to index
      %parallel_loop3A_151 = arith.index_cast %parallel_loop3A_144 : i32 to index
      %parallel_loop3A_152 = tpu.vector_load %arg8[%parallel_loop3A_148, %parallel_loop3A_149, %parallel_loop3A_150, %parallel_loop3A_151] {strides = array<i32>} : memref<4x4x8x128xf32, #tpu.memory_space<vmem>>, vector<16xf32>,
      tpu.vector_store %arg8[%parallel_loop3A_148, %parallel_loop3A_149, %parallel_loop3A_150, %parallel_loop3A_151], %parallel_loop3A_145 {strides = array<i32>} : memref<4x4x8x128xf32, #tpu.memory_space<vmem>>, vector<16xf32>,
      %parallel_loop3A_153 = tpu.vector_load_idx %arg7[%parallel_loop3A_102, %broadcast_in_dim3A_11] : memref<512x33xf32, #tpu.memory_space<vmem>>[vector<16xi32>, vector<16xi32>], vector<16xf32>,
      %parallel_loop3A_154 = arith.constant 0 : i32
      %parallel_loop3A_155 = arith.constant 1 : i32
      %parallel_loop3A_156 = arith.index_cast %parallel_loop3A_154 : i32 to index
      %parallel_loop3A_157 = arith.index_cast %parallel_loop3A_126 : i32 to index
      %parallel_loop3A_158 = arith.index_cast %parallel_loop3A_155 : i32 to index
      %parallel_loop3A_159 = arith.index_cast %parallel_loop3A_144 : i32 to index
      %parallel_loop3A_160 = tpu.vector_load %arg8[%parallel_loop3A_156, %parallel_loop3A_157, %parallel_loop3A_158, %parallel_loop3A_159] {strides = array<i32>} : memref<4x4x8x128xf32, #tpu.memory_space<vmem>>, vector<16xf32>,
      tpu.vector_store %arg8[%parallel_loop3A_156, %parallel_loop3A_157, %parallel_loop3A_158, %parallel_loop3A_159], %parallel_loop3A_153 {strides = array<i32>} : memref<4x4x8x128xf32, #tpu.memory_space<vmem>>, vector<16xf32>,
      %parallel_loop3A_161 = tpu.vector_load_idx %arg7[%parallel_loop3A_102, %broadcast_in_dim3A_13] : memref<512x33xf32, #tpu.memory_space<vmem>>[vector<16xi32>, vector<16xi32>], vector<16xf32>,
      %parallel_loop3A_162 = arith.constant 0 : i32
      %parallel_loop3A_163 = arith.constant 2 : i32
      %parallel_loop3A_164 = arith.index_cast %parallel_loop3A_162 : i32 to index
      %parallel_loop3A_165 = arith.index_cast %parallel_loop3A_126 : i32 to index
      %parallel_loop3A_166 = arith.index_cast %parallel_loop3A_163 : i32 to index
      %parallel_loop3A_167 = arith.index_cast %parallel_loop3A_144 : i32 to index
      %parallel_loop3A_168 = tpu.vector_load %arg8[%parallel_loop3A_164, %parallel_loop3A_165, %parallel_loop3A_166, %parallel_loop3A_167] {strides = array<i32>} : memref<4x4x8x128xf32, #tpu.memory_space<vmem>>, vector<16xf32>,
      tpu.vector_store %arg8[%parallel_loop3A_164, %parallel_loop3A_165, %parallel_loop3A_166, %parallel_loop3A_167], %parallel_loop3A_161 {strides = array<i32>} : memref<4x4x8x128xf32, #tpu.memory_space<vmem>>, vector<16xf32>,
      %parallel_loop3A_169 = tpu.vector_load_idx %arg7[%parallel_loop3A_102, %broadcast_in_dim3A_15] : memref<512x33xf32, #tpu.memory_space<vmem>>[vector<16xi32>, vector<16xi32>], vector<16xf32>,
      %parallel_loop3A_170 = arith.constant 0 : i32
      %parallel_loop3A_171 = arith.constant 3 : i32
      %parallel_loop3A_172 = arith.index_cast %parallel_loop3A_170 : i32 to index
      %parallel_loop3A_173 = arith.index_cast %parallel_loop3A_126 : i32 to index
      %parallel_loop3A_174 = arith.index_cast %parallel_loop3A_171 : i32 to index
      %parallel_loop3A_175 = arith.index_cast %parallel_loop3A_144 : i32 to index
      %parallel_loop3A_176 = tpu.vector_load %arg8[%parallel_loop3A_172, %parallel_loop3A_173, %parallel_loop3A_174, %parallel_loop3A_175] {strides = array<i32>} : memref<4x4x8x128xf32, #tpu.memory_space<vmem>>, vector<16xf32>,
      tpu.vector_store %arg8[%parallel_loop3A_172, %parallel_loop3A_173, %parallel_loop3A_174, %parallel_loop3A_175], %parallel_loop3A_169 {strides = array<i32>} : memref<4x4x8x128xf32, #tpu.memory_space<vmem>>, vector<16xf32>,
      %parallel_loop3A_177 = tpu.vector_load_idx %arg7[%parallel_loop3A_102, %broadcast_in_dim3A_17] : memref<512x33xf32, #tpu.memory_space<vmem>>[vector<16xi32>, vector<16xi32>], vector<16xf32>,
      %parallel_loop3A_178 = arith.constant 0 : i32
      %parallel_loop3A_179 = arith.constant 4 : i32
      %parallel_loop3A_180 = arith.index_cast %parallel_loop3A_178 : i32 to index
      %parallel_loop3A_181 = arith.index_cast %parallel_loop3A_126 : i32 to index
      %parallel_loop3A_182 = arith.index_cast %parallel_loop3A_179 : i32 to index
      %parallel_loop3A_183 = arith.index_cast %parallel_loop3A_144 : i32 to index
      %parallel_loop3A_184 = tpu.vector_load %arg8[%parallel_loop3A_180, %parallel_loop3A_181, %parallel_loop3A_182, %parallel_loop3A_183] {strides = array<i32>} : memref<4x4x8x128xf32, #tpu.memory_space<vmem>>, vector<16xf32>,
      tpu.vector_store %arg8[%parallel_loop3A_180, %parallel_loop3A_181, %parallel_loop3A_182, %parallel_loop3A_183], %parallel_loop3A_177 {strides = array<i32>} : memref<4x4x8x128xf32, #tpu.memory_space<vmem>>, vector<16xf32>,
      %parallel_loop3A_185 = tpu.vector_load_idx %arg7[%parallel_loop3A_102, %broadcast_in_dim3A_19] : memref<512x33xf32, #tpu.memory_space<vmem>>[vector<16xi32>, vector<16xi32>], vector<16xf32>,
      %parallel_loop3A_186 = arith.constant 0 : i32
      %parallel_loop3A_187 = arith.constant 5 : i32
      %parallel_loop3A_188 = arith.index_cast %parallel_loop3A_186 : i32 to index
      %parallel_loop3A_189 = arith.index_cast %parallel_loop3A_126 : i32 to index
      %parallel_loop3A_190 = arith.index_cast %parallel_loop3A_187 : i32 to index
      %parallel_loop3A_191 = arith.index_cast %parallel_loop3A_144 : i32 to index
      %parallel_loop3A_192 = tpu.vector_load %arg8[%parallel_loop3A_188, %parallel_loop3A_189, %parallel_loop3A_190, %parallel_loop3A_191] {strides = array<i32>} : memref<4x4x8x128xf32, #tpu.memory_space<vmem>>, vector<16xf32>,
      tpu.vector_store %arg8[%parallel_loop3A_188, %parallel_loop3A_189, %parallel_loop3A_190, %parallel_loop3A_191], %parallel_loop3A_185 {strides = array<i32>} : memref<4x4x8x128xf32, #tpu.memory_space<vmem>>, vector<16xf32>,
      %parallel_loop3A_193 = tpu.vector_load_idx %arg7[%parallel_loop3A_102, %broadcast_in_dim3A_21] : memref<512x33xf32, #tpu.memory_space<vmem>>[vector<16xi32>, vector<16xi32>], vector<16xf32>,
      %parallel_loop3A_194 = arith.constant 0 : i32
      %parallel_loop3A_195 = arith.constant 6 : i32
      %parallel_loop3A_196 = arith.index_cast %parallel_loop3A_194 : i32 to index
      %parallel_loop3A_197 = arith.index_cast %parallel_loop3A_126 : i32 to index
      %parallel_loop3A_198 = arith.index_cast %parallel_loop3A_195 : i32 to index
      %parallel_loop3A_199 = arith.index_cast %parallel_loop3A_144 : i32 to index
      %parallel_loop3A_200 = tpu.vector_load %arg8[%parallel_loop3A_196, %parallel_loop3A_197, %parallel_loop3A_198, %parallel_loop3A_199] {strides = array<i32>} : memref<4x4x8x128xf32, #tpu.memory_space<vmem>>, vector<16xf32>,
      tpu.vector_store %arg8[%parallel_loop3A_196, %parallel_loop3A_197, %parallel_loop3A_198, %parallel_loop3A_199], %parallel_loop3A_193 {strides = array<i32>} : memref<4x4x8x128xf32, #tpu.memory_space<vmem>>, vector<16xf32>,
      %parallel_loop3A_201 = tpu.vector_load_idx %arg7[%parallel_loop3A_102, %broadcast_in_dim3A_23] : memref<512x33xf32, #tpu.memory_space<vmem>>[vector<16xi32>, vector<16xi32>], vector<16xf32>,
      %parallel_loop3A_202 = arith.constant 0 : i32
      %parallel_loop3A_203 = arith.constant 7 : i32
      %parallel_loop3A_204 = arith.index_cast %parallel_loop3A_202 : i32 to index
      %parallel_loop3A_205 = arith.index_cast %parallel_loop3A_126 : i32 to index
      %parallel_loop3A_206 = arith.index_cast %parallel_loop3A_203 : i32 to index
      %parallel_loop3A_207 = arith.index_cast %parallel_loop3A_144 : i32 to index
      %parallel_loop3A_208 = tpu.vector_load %arg8[%parallel_loop3A_204, %parallel_loop3A_205, %parallel_loop3A_206, %parallel_loop3A_207] {strides = array<i32>} : memref<4x4x8x128xf32, #tpu.memory_space<vmem>>, vector<16xf32>,
      tpu.vector_store %arg8[%parallel_loop3A_204, %parallel_loop3A_205, %parallel_loop3A_206, %parallel_loop3A_207], %parallel_loop3A_201 {strides = array<i32>} : memref<4x4x8x128xf32, #tpu.memory_space<vmem>>, vector<16xf32>,
      %parallel_loop3A_209 = tpu.vector_load_idx %arg7[%parallel_loop3A_102, %broadcast_in_dim3A_25] : memref<512x33xf32, #tpu.memory_space<vmem>>[vector<16xi32>, vector<16xi32>], vector<16xf32>,
      %parallel_loop3A_210 = arith.constant 1 : i32
      %parallel_loop3A_211 = arith.constant 0 : i32
      %parallel_loop3A_212 = arith.index_cast %parallel_loop3A_210 : i32 to index
      %parallel_loop3A_213 = arith.index_cast %parallel_loop3A_126 : i32 to index
      %parallel_loop3A_214 = arith.index_cast %parallel_loop3A_211 : i32 to index
      %parallel_loop3A_215 = arith.index_cast %parallel_loop3A_144 : i32 to index
      %parallel_loop3A_216 = tpu.vector_load %arg8[%parallel_loop3A_212, %parallel_loop3A_213, %parallel_loop3A_214, %parallel_loop3A_215] {strides = array<i32>} : memref<4x4x8x128xf32, #tpu.memory_space<vmem>>, vector<16xf32>,
      tpu.vector_store %arg8[%parallel_loop3A_212, %parallel_loop3A_213, %parallel_loop3A_214, %parallel_loop3A_215], %parallel_loop3A_209 {strides = array<i32>} : memref<4x4x8x128xf32, #tpu.memory_space<vmem>>, vector<16xf32>,
      %parallel_loop3A_217 = tpu.vector_load_idx %arg7[%parallel_loop3A_102, %broadcast_in_dim3A_27] : memref<512x33xf32, #tpu.memory_space<vmem>>[vector<16xi32>, vector<16xi32>], vector<16xf32>,
      %parallel_loop3A_218 = arith.constant 1 : i32
      %parallel_loop3A_219 = arith.constant 1 : i32
      %parallel_loop3A_220 = arith.index_cast %parallel_loop3A_218 : i32 to index
      %parallel_loop3A_221 = arith.index_cast %parallel_loop3A_126 : i32 to index
      %parallel_loop3A_222 = arith.index_cast %parallel_loop3A_219 : i32 to index
      %parallel_loop3A_223 = arith.index_cast %parallel_loop3A_144 : i32 to index
      %parallel_loop3A_224 = tpu.vector_load %arg8[%parallel_loop3A_220, %parallel_loop3A_221, %parallel_loop3A_222, %parallel_loop3A_223] {strides = array<i32>} : memref<4x4x8x128xf32, #tpu.memory_space<vmem>>, vector<16xf32>,
      tpu.vector_store %arg8[%parallel_loop3A_220, %parallel_loop3A_221, %parallel_loop3A_222, %parallel_loop3A_223], %parallel_loop3A_217 {strides = array<i32>} : memref<4x4x8x128xf32, #tpu.memory_space<vmem>>, vector<16xf32>,
      %parallel_loop3A_225 = tpu.vector_load_idx %arg7[%parallel_loop3A_102, %broadcast_in_dim3A_29] : memref<512x33xf32, #tpu.memory_space<vmem>>[vector<16xi32>, vector<16xi32>], vector<16xf32>,
      %parallel_loop3A_226 = arith.constant 1 : i32
      %parallel_loop3A_227 = arith.constant 2 : i32
      %parallel_loop3A_228 = arith.index_cast %parallel_loop3A_226 : i32 to index
      %parallel_loop3A_229 = arith.index_cast %parallel_loop3A_126 : i32 to index
      %parallel_loop3A_230 = arith.index_cast %parallel_loop3A_227 : i32 to index
      %parallel_loop3A_231 = arith.index_cast %parallel_loop3A_144 : i32 to index
      %parallel_loop3A_232 = tpu.vector_load %arg8[%parallel_loop3A_228, %parallel_loop3A_229, %parallel_loop3A_230, %parallel_loop3A_231] {strides = array<i32>} : memref<4x4x8x128xf32, #tpu.memory_space<vmem>>, vector<16xf32>,
      tpu.vector_store %arg8[%parallel_loop3A_228, %parallel_loop3A_229, %parallel_loop3A_230, %parallel_loop3A_231], %parallel_loop3A_225 {strides = array<i32>} : memref<4x4x8x128xf32, #tpu.memory_space<vmem>>, vector<16xf32>,
      %parallel_loop3A_233 = tpu.vector_load_idx %arg7[%parallel_loop3A_102, %broadcast_in_dim3A_31] : memref<512x33xf32, #tpu.memory_space<vmem>>[vector<16xi32>, vector<16xi32>], vector<16xf32>,
      %parallel_loop3A_234 = arith.constant 1 : i32
      %parallel_loop3A_235 = arith.constant 3 : i32
      %parallel_loop3A_236 = arith.index_cast %parallel_loop3A_234 : i32 to index
      %parallel_loop3A_237 = arith.index_cast %parallel_loop3A_126 : i32 to index
      %parallel_loop3A_238 = arith.index_cast %parallel_loop3A_235 : i32 to index
      %parallel_loop3A_239 = arith.index_cast %parallel_loop3A_144 : i32 to index
      %parallel_loop3A_240 = tpu.vector_load %arg8[%parallel_loop3A_236, %parallel_loop3A_237, %parallel_loop3A_238, %parallel_loop3A_239] {strides = array<i32>} : memref<4x4x8x128xf32, #tpu.memory_space<vmem>>, vector<16xf32>,
      tpu.vector_store %arg8[%parallel_loop3A_236, %parallel_loop3A_237, %parallel_loop3A_238, %parallel_loop3A_239], %parallel_loop3A_233 {strides = array<i32>} : memref<4x4x8x128xf32, #tpu.memory_space<vmem>>, vector<16xf32>,
      %parallel_loop3A_241 = tpu.vector_load_idx %arg7[%parallel_loop3A_102, %broadcast_in_dim3A_33] : memref<512x33xf32, #tpu.memory_space<vmem>>[vector<16xi32>, vector<16xi32>], vector<16xf32>,
      %parallel_loop3A_242 = arith.constant 1 : i32
      %parallel_loop3A_243 = arith.constant 4 : i32
      %parallel_loop3A_244 = arith.index_cast %parallel_loop3A_242 : i32 to index
      %parallel_loop3A_245 = arith.index_cast %parallel_loop3A_126 : i32 to index
      %parallel_loop3A_246 = arith.index_cast %parallel_loop3A_243 : i32 to index
      %parallel_loop3A_247 = arith.index_cast %parallel_loop3A_144 : i32 to index
      %parallel_loop3A_248 = tpu.vector_load %arg8[%parallel_loop3A_244, %parallel_loop3A_245, %parallel_loop3A_246, %parallel_loop3A_247] {strides = array<i32>} : memref<4x4x8x128xf32, #tpu.memory_space<vmem>>, vector<16xf32>,
      tpu.vector_store %arg8[%parallel_loop3A_244, %parallel_loop3A_245, %parallel_loop3A_246, %parallel_loop3A_247], %parallel_loop3A_241 {strides = array<i32>} : memref<4x4x8x128xf32, #tpu.memory_space<vmem>>, vector<16xf32>,
      %parallel_loop3A_249 = tpu.vector_load_idx %arg7[%parallel_loop3A_102, %broadcast_in_dim3A_35] : memref<512x33xf32, #tpu.memory_space<vmem>>[vector<16xi32>, vector<16xi32>], vector<16xf32>,
      %parallel_loop3A_250 = arith.constant 1 : i32
      %parallel_loop3A_251 = arith.constant 5 : i32
      %parallel_loop3A_252 = arith.index_cast %parallel_loop3A_250 : i32 to index
      %parallel_loop3A_253 = arith.index_cast %parallel_loop3A_126 : i32 to index
      %parallel_loop3A_254 = arith.index_cast %parallel_loop3A_251 : i32 to index
      %parallel_loop3A_255 = arith.index_cast %parallel_loop3A_144 : i32 to index
      %parallel_loop3A_256 = tpu.vector_load %arg8[%parallel_loop3A_252, %parallel_loop3A_253, %parallel_loop3A_254, %parallel_loop3A_255] {strides = array<i32>} : memref<4x4x8x128xf32, #tpu.memory_space<vmem>>, vector<16xf32>,
      tpu.vector_store %arg8[%parallel_loop3A_252, %parallel_loop3A_253, %parallel_loop3A_254, %parallel_loop3A_255], %parallel_loop3A_249 {strides = array<i32>} : memref<4x4x8x128xf32, #tpu.memory_space<vmem>>, vector<16xf32>,
      %parallel_loop3A_257 = tpu.vector_load_idx %arg7[%parallel_loop3A_102, %broadcast_in_dim3A_37] : memref<512x33xf32, #tpu.memory_space<vmem>>[vector<16xi32>, vector<16xi32>], vector<16xf32>,
      %parallel_loop3A_258 = arith.constant 1 : i32
      %parallel_loop3A_259 = arith.constant 6 : i32
      %parallel_loop3A_260 = arith.index_cast %parallel_loop3A_258 : i32 to index
      %parallel_loop3A_261 = arith.index_cast %parallel_loop3A_126 : i32 to index
      %parallel_loop3A_262 = arith.index_cast %parallel_loop3A_259 : i32 to index
      %parallel_loop3A_263 = arith.index_cast %parallel_loop3A_144 : i32 to index
      %parallel_loop3A_264 = tpu.vector_load %arg8[%parallel_loop3A_260, %parallel_loop3A_261, %parallel_loop3A_262, %parallel_loop3A_263] {strides = array<i32>} : memref<4x4x8x128xf32, #tpu.memory_space<vmem>>, vector<16xf32>,
      tpu.vector_store %arg8[%parallel_loop3A_260, %parallel_loop3A_261, %parallel_loop3A_262, %parallel_loop3A_263], %parallel_loop3A_257 {strides = array<i32>} : memref<4x4x8x128xf32, #tpu.memory_space<vmem>>, vector<16xf32>,
      %parallel_loop3A_265 = tpu.vector_load_idx %arg7[%parallel_loop3A_102, %broadcast_in_dim3A_39] : memref<512x33xf32, #tpu.memory_space<vmem>>[vector<16xi32>, vector<16xi32>], vector<16xf32>,
      %parallel_loop3A_266 = arith.constant 1 : i32
      %parallel_loop3A_267 = arith.constant 7 : i32
      %parallel_loop3A_268 = arith.index_cast %parallel_loop3A_266 : i32 to index
      %parallel_loop3A_269 = arith.index_cast %parallel_loop3A_126 : i32 to index
      %parallel_loop3A_270 = arith.index_cast %parallel_loop3A_267 : i32 to index
      %parallel_loop3A_271 = arith.index_cast %parallel_loop3A_144 : i32 to index
      %parallel_loop3A_272 = tpu.vector_load %arg8[%parallel_loop3A_268, %parallel_loop3A_269, %parallel_loop3A_270, %parallel_loop3A_271] {strides = array<i32>} : memref<4x4x8x128xf32, #tpu.memory_space<vmem>>, vector<16xf32>,
      tpu.vector_store %arg8[%parallel_loop3A_268, %parallel_loop3A_269, %parallel_loop3A_270, %parallel_loop3A_271], %parallel_loop3A_265 {strides = array<i32>} : memref<4x4x8x128xf32, #tpu.memory_space<vmem>>, vector<16xf32>,
      %parallel_loop3A_273 = tpu.vector_load_idx %arg7[%parallel_loop3A_102, %broadcast_in_dim3A_41] : memref<512x33xf32, #tpu.memory_space<vmem>>[vector<16xi32>, vector<16xi32>], vector<16xf32>,
      %parallel_loop3A_274 = arith.constant 2 : i32
      %parallel_loop3A_275 = arith.constant 0 : i32
      %parallel_loop3A_276 = arith.index_cast %parallel_loop3A_274 : i32 to index
      %parallel_loop3A_277 = arith.index_cast %parallel_loop3A_126 : i32 to index
      %parallel_loop3A_278 = arith.index_cast %parallel_loop3A_275 : i32 to index
      %parallel_loop3A_279 = arith.index_cast %parallel_loop3A_144 : i32 to index
      %parallel_loop3A_280 = tpu.vector_load %arg8[%parallel_loop3A_276, %parallel_loop3A_277, %parallel_loop3A_278, %parallel_loop3A_279] {strides = array<i32>} : memref<4x4x8x128xf32, #tpu.memory_space<vmem>>, vector<16xf32>,
      tpu.vector_store %arg8[%parallel_loop3A_276, %parallel_loop3A_277, %parallel_loop3A_278, %parallel_loop3A_279], %parallel_loop3A_273 {strides = array<i32>} : memref<4x4x8x128xf32, #tpu.memory_space<vmem>>, vector<16xf32>,
      %parallel_loop3A_281 = tpu.vector_load_idx %arg7[%parallel_loop3A_102, %broadcast_in_dim3A_43] : memref<512x33xf32, #tpu.memory_space<vmem>>[vector<16xi32>, vector<16xi32>], vector<16xf32>,
      %parallel_loop3A_282 = arith.constant 2 : i32
      %parallel_loop3A_283 = arith.constant 1 : i32
      %parallel_loop3A_284 = arith.index_cast %parallel_loop3A_282 : i32 to index
      %parallel_loop3A_285 = arith.index_cast %parallel_loop3A_126 : i32 to index
      %parallel_loop3A_286 = arith.index_cast %parallel_loop3A_283 : i32 to index
      %parallel_loop3A_287 = arith.index_cast %parallel_loop3A_144 : i32 to index
      %parallel_loop3A_288 = tpu.vector_load %arg8[%parallel_loop3A_284, %parallel_loop3A_285, %parallel_loop3A_286, %parallel_loop3A_287] {strides = array<i32>} : memref<4x4x8x128xf32, #tpu.memory_space<vmem>>, vector<16xf32>,
      tpu.vector_store %arg8[%parallel_loop3A_284, %parallel_loop3A_285, %parallel_loop3A_286, %parallel_loop3A_287], %parallel_loop3A_281 {strides = array<i32>} : memref<4x4x8x128xf32, #tpu.memory_space<vmem>>, vector<16xf32>,
      %parallel_loop3A_289 = tpu.vector_load_idx %arg7[%parallel_loop3A_102, %broadcast_in_dim3A_45] : memref<512x33xf32, #tpu.memory_space<vmem>>[vector<16xi32>, vector<16xi32>], vector<16xf32>,
      %parallel_loop3A_290 = arith.constant 2 : i32
      %parallel_loop3A_291 = arith.constant 2 : i32
      %parallel_loop3A_292 = arith.index_cast %parallel_loop3A_290 : i32 to index
      %parallel_loop3A_293 = arith.index_cast %parallel_loop3A_126 : i32 to index
      %parallel_loop3A_294 = arith.index_cast %parallel_loop3A_291 : i32 to index
      %parallel_loop3A_295 = arith.index_cast %parallel_loop3A_144 : i32 to index
      %parallel_loop3A_296 = tpu.vector_load %arg8[%parallel_loop3A_292, %parallel_loop3A_293, %parallel_loop3A_294, %parallel_loop3A_295] {strides = array<i32>} : memref<4x4x8x128xf32, #tpu.memory_space<vmem>>, vector<16xf32>,
      tpu.vector_store %arg8[%parallel_loop3A_292, %parallel_loop3A_293, %parallel_loop3A_294, %parallel_loop3A_295], %parallel_loop3A_289 {strides = array<i32>} : memref<4x4x8x128xf32, #tpu.memory_space<vmem>>, vector<16xf32>,
      %parallel_loop3A_297 = tpu.vector_load_idx %arg7[%parallel_loop3A_102, %broadcast_in_dim3A_47] : memref<512x33xf32, #tpu.memory_space<vmem>>[vector<16xi32>, vector<16xi32>], vector<16xf32>,
      %parallel_loop3A_298 = arith.constant 2 : i32
      %parallel_loop3A_299 = arith.constant 3 : i32
      %parallel_loop3A_300 = arith.index_cast %parallel_loop3A_298 : i32 to index
      %parallel_loop3A_301 = arith.index_cast %parallel_loop3A_126 : i32 to index
      %parallel_loop3A_302 = arith.index_cast %parallel_loop3A_299 : i32 to index
      %parallel_loop3A_303 = arith.index_cast %parallel_loop3A_144 : i32 to index
      %parallel_loop3A_304 = tpu.vector_load %arg8[%parallel_loop3A_300, %parallel_loop3A_301, %parallel_loop3A_302, %parallel_loop3A_303] {strides = array<i32>} : memref<4x4x8x128xf32, #tpu.memory_space<vmem>>, vector<16xf32>,
      tpu.vector_store %arg8[%parallel_loop3A_300, %parallel_loop3A_301, %parallel_loop3A_302, %parallel_loop3A_303], %parallel_loop3A_297 {strides = array<i32>} : memref<4x4x8x128xf32, #tpu.memory_space<vmem>>, vector<16xf32>,
      %parallel_loop3A_305 = tpu.vector_load_idx %arg7[%parallel_loop3A_102, %broadcast_in_dim3A_49] : memref<512x33xf32, #tpu.memory_space<vmem>>[vector<16xi32>, vector<16xi32>], vector<16xf32>,
      %parallel_loop3A_306 = arith.constant 2 : i32
      %parallel_loop3A_307 = arith.constant 4 : i32
      %parallel_loop3A_308 = arith.index_cast %parallel_loop3A_306 : i32 to index
      %parallel_loop3A_309 = arith.index_cast %parallel_loop3A_126 : i32 to index
      %parallel_loop3A_310 = arith.index_cast %parallel_loop3A_307 : i32 to index
      %parallel_loop3A_311 = arith.index_cast %parallel_loop3A_144 : i32 to index
      %parallel_loop3A_312 = tpu.vector_load %arg8[%parallel_loop3A_308, %parallel_loop3A_309, %parallel_loop3A_310, %parallel_loop3A_311] {strides = array<i32>} : memref<4x4x8x128xf32, #tpu.memory_space<vmem>>, vector<16xf32>,
      tpu.vector_store %arg8[%parallel_loop3A_308, %parallel_loop3A_309, %parallel_loop3A_310, %parallel_loop3A_311], %parallel_loop3A_305 {strides = array<i32>} : memref<4x4x8x128xf32, #tpu.memory_space<vmem>>, vector<16xf32>,
      %parallel_loop3A_313 = tpu.vector_load_idx %arg7[%parallel_loop3A_102, %broadcast_in_dim3A_51] : memref<512x33xf32, #tpu.memory_space<vmem>>[vector<16xi32>, vector<16xi32>], vector<16xf32>,
      %parallel_loop3A_314 = arith.constant 2 : i32
      %parallel_loop3A_315 = arith.constant 5 : i32
      %parallel_loop3A_316 = arith.index_cast %parallel_loop3A_314 : i32 to index
      %parallel_loop3A_317 = arith.index_cast %parallel_loop3A_126 : i32 to index
      %parallel_loop3A_318 = arith.index_cast %parallel_loop3A_315 : i32 to index
      %parallel_loop3A_319 = arith.index_cast %parallel_loop3A_144 : i32 to index
      %parallel_loop3A_320 = tpu.vector_load %arg8[%parallel_loop3A_316, %parallel_loop3A_317, %parallel_loop3A_318, %parallel_loop3A_319] {strides = array<i32>} : memref<4x4x8x128xf32, #tpu.memory_space<vmem>>, vector<16xf32>,
      tpu.vector_store %arg8[%parallel_loop3A_316, %parallel_loop3A_317, %parallel_loop3A_318, %parallel_loop3A_319], %parallel_loop3A_313 {strides = array<i32>} : memref<4x4x8x128xf32, #tpu.memory_space<vmem>>, vector<16xf32>,
      %parallel_loop3A_321 = tpu.vector_load_idx %arg7[%parallel_loop3A_102, %broadcast_in_dim3A_53] : memref<512x33xf32, #tpu.memory_space<vmem>>[vector<16xi32>, vector<16xi32>], vector<16xf32>,
      %parallel_loop3A_322 = arith.constant 2 : i32
      %parallel_loop3A_323 = arith.constant 6 : i32
      %parallel_loop3A_324 = arith.index_cast %parallel_loop3A_322 : i32 to index
      %parallel_loop3A_325 = arith.index_cast %parallel_loop3A_126 : i32 to index
      %parallel_loop3A_326 = arith.index_cast %parallel_loop3A_323 : i32 to index
      %parallel_loop3A_327 = arith.index_cast %parallel_loop3A_144 : i32 to index
      %parallel_loop3A_328 = tpu.vector_load %arg8[%parallel_loop3A_324, %parallel_loop3A_325, %parallel_loop3A_326, %parallel_loop3A_327] {strides = array<i32>} : memref<4x4x8x128xf32, #tpu.memory_space<vmem>>, vector<16xf32>,
      tpu.vector_store %arg8[%parallel_loop3A_324, %parallel_loop3A_325, %parallel_loop3A_326, %parallel_loop3A_327], %parallel_loop3A_321 {strides = array<i32>} : memref<4x4x8x128xf32, #tpu.memory_space<vmem>>, vector<16xf32>,
      %parallel_loop3A_329 = tpu.vector_load_idx %arg7[%parallel_loop3A_102, %broadcast_in_dim3A_55] : memref<512x33xf32, #tpu.memory_space<vmem>>[vector<16xi32>, vector<16xi32>], vector<16xf32>,
      %parallel_loop3A_330 = arith.constant 2 : i32
      %parallel_loop3A_331 = arith.constant 7 : i32
      %parallel_loop3A_332 = arith.index_cast %parallel_loop3A_330 : i32 to index
      %parallel_loop3A_333 = arith.index_cast %parallel_loop3A_126 : i32 to index
      %parallel_loop3A_334 = arith.index_cast %parallel_loop3A_331 : i32 to index
      %parallel_loop3A_335 = arith.index_cast %parallel_loop3A_144 : i32 to index
      %parallel_loop3A_336 = tpu.vector_load %arg8[%parallel_loop3A_332, %parallel_loop3A_333, %parallel_loop3A_334, %parallel_loop3A_335] {strides = array<i32>} : memref<4x4x8x128xf32, #tpu.memory_space<vmem>>, vector<16xf32>,
      tpu.vector_store %arg8[%parallel_loop3A_332, %parallel_loop3A_333, %parallel_loop3A_334, %parallel_loop3A_335], %parallel_loop3A_329 {strides = array<i32>} : memref<4x4x8x128xf32, #tpu.memory_space<vmem>>, vector<16xf32>,
      %parallel_loop3A_337 = tpu.vector_load_idx %arg7[%parallel_loop3A_102, %broadcast_in_dim3A_57] : memref<512x33xf32, #tpu.memory_space<vmem>>[vector<16xi32>, vector<16xi32>], vector<16xf32>,
      %parallel_loop3A_338 = arith.constant 3 : i32
      %parallel_loop3A_339 = arith.constant 0 : i32
      %parallel_loop3A_340 = arith.index_cast %parallel_loop3A_338 : i32 to index
      %parallel_loop3A_341 = arith.index_cast %parallel_loop3A_126 : i32 to index
      %parallel_loop3A_342 = arith.index_cast %parallel_loop3A_339 : i32 to index
      %parallel_loop3A_343 = arith.index_cast %parallel_loop3A_144 : i32 to index
      %parallel_loop3A_344 = tpu.vector_load %arg8[%parallel_loop3A_340, %parallel_loop3A_341, %parallel_loop3A_342, %parallel_loop3A_343] {strides = array<i32>} : memref<4x4x8x128xf32, #tpu.memory_space<vmem>>, vector<16xf32>,
      tpu.vector_store %arg8[%parallel_loop3A_340, %parallel_loop3A_341, %parallel_loop3A_342, %parallel_loop3A_343], %parallel_loop3A_337 {strides = array<i32>} : memref<4x4x8x128xf32, #tpu.memory_space<vmem>>, vector<16xf32>,
      %parallel_loop3A_345 = tpu.vector_load_idx %arg7[%parallel_loop3A_102, %broadcast_in_dim3A_59] : memref<512x33xf32, #tpu.memory_space<vmem>>[vector<16xi32>, vector<16xi32>], vector<16xf32>,
      %parallel_loop3A_346 = arith.constant 3 : i32
      %parallel_loop3A_347 = arith.constant 1 : i32
      %parallel_loop3A_348 = arith.index_cast %parallel_loop3A_346 : i32 to index
      %parallel_loop3A_349 = arith.index_cast %parallel_loop3A_126 : i32 to index
      %parallel_loop3A_350 = arith.index_cast %parallel_loop3A_347 : i32 to index
      %parallel_loop3A_351 = arith.index_cast %parallel_loop3A_144 : i32 to index
      %parallel_loop3A_352 = tpu.vector_load %arg8[%parallel_loop3A_348, %parallel_loop3A_349, %parallel_loop3A_350, %parallel_loop3A_351] {strides = array<i32>} : memref<4x4x8x128xf32, #tpu.memory_space<vmem>>, vector<16xf32>,
      tpu.vector_store %arg8[%parallel_loop3A_348, %parallel_loop3A_349, %parallel_loop3A_350, %parallel_loop3A_351], %parallel_loop3A_345 {strides = array<i32>} : memref<4x4x8x128xf32, #tpu.memory_space<vmem>>, vector<16xf32>,
      %parallel_loop3A_353 = tpu.vector_load_idx %arg7[%parallel_loop3A_102, %broadcast_in_dim3A_61] : memref<512x33xf32, #tpu.memory_space<vmem>>[vector<16xi32>, vector<16xi32>], vector<16xf32>,
      %parallel_loop3A_354 = arith.constant 3 : i32
      %parallel_loop3A_355 = arith.constant 2 : i32
      %parallel_loop3A_356 = arith.index_cast %parallel_loop3A_354 : i32 to index
      %parallel_loop3A_357 = arith.index_cast %parallel_loop3A_126 : i32 to index
      %parallel_loop3A_358 = arith.index_cast %parallel_loop3A_355 : i32 to index
      %parallel_loop3A_359 = arith.index_cast %parallel_loop3A_144 : i32 to index
      %parallel_loop3A_360 = tpu.vector_load %arg8[%parallel_loop3A_356, %parallel_loop3A_357, %parallel_loop3A_358, %parallel_loop3A_359] {strides = array<i32>} : memref<4x4x8x128xf32, #tpu.memory_space<vmem>>, vector<16xf32>,
      tpu.vector_store %arg8[%parallel_loop3A_356, %parallel_loop3A_357, %parallel_loop3A_358, %parallel_loop3A_359], %parallel_loop3A_353 {strides = array<i32>} : memref<4x4x8x128xf32, #tpu.memory_space<vmem>>, vector<16xf32>,
      %parallel_loop3A_361 = tpu.vector_load_idx %arg7[%parallel_loop3A_102, %broadcast_in_dim3A_63] : memref<512x33xf32, #tpu.memory_space<vmem>>[vector<16xi32>, vector<16xi32>], vector<16xf32>,
      %parallel_loop3A_362 = arith.constant 3 : i32
      %parallel_loop3A_363 = arith.constant 3 : i32
      %parallel_loop3A_364 = arith.index_cast %parallel_loop3A_362 : i32 to index
      %parallel_loop3A_365 = arith.index_cast %parallel_loop3A_126 : i32 to index
      %parallel_loop3A_366 = arith.index_cast %parallel_loop3A_363 : i32 to index
      %parallel_loop3A_367 = arith.index_cast %parallel_loop3A_144 : i32 to index
      %parallel_loop3A_368 = tpu.vector_load %arg8[%parallel_loop3A_364, %parallel_loop3A_365, %parallel_loop3A_366, %parallel_loop3A_367] {strides = array<i32>} : memref<4x4x8x128xf32, #tpu.memory_space<vmem>>, vector<16xf32>,
      tpu.vector_store %arg8[%parallel_loop3A_364, %parallel_loop3A_365, %parallel_loop3A_366, %parallel_loop3A_367], %parallel_loop3A_361 {strides = array<i32>} : memref<4x4x8x128xf32, #tpu.memory_space<vmem>>, vector<16xf32>,
      %parallel_loop3A_369 = tpu.vector_load_idx %arg7[%parallel_loop3A_102, %broadcast_in_dim3A_65] : memref<512x33xf32, #tpu.memory_space<vmem>>[vector<16xi32>, vector<16xi32>], vector<16xf32>,
      %parallel_loop3A_370 = arith.constant 3 : i32
      %parallel_loop3A_371 = arith.constant 4 : i32
      %parallel_loop3A_372 = arith.index_cast %parallel_loop3A_370 : i32 to index
      %parallel_loop3A_373 = arith.index_cast %parallel_loop3A_126 : i32 to index
      %parallel_loop3A_374 = arith.index_cast %parallel_loop3A_371 : i32 to index
      %parallel_loop3A_375 = arith.index_cast %parallel_loop3A_144 : i32 to index
      %parallel_loop3A_376 = tpu.vector_load %arg8[%parallel_loop3A_372, %parallel_loop3A_373, %parallel_loop3A_374, %parallel_loop3A_375] {strides = array<i32>} : memref<4x4x8x128xf32, #tpu.memory_space<vmem>>, vector<16xf32>,
      tpu.vector_store %arg8[%parallel_loop3A_372, %parallel_loop3A_373, %parallel_loop3A_374, %parallel_loop3A_375], %parallel_loop3A_369 {strides = array<i32>} : memref<4x4x8x128xf32, #tpu.memory_space<vmem>>, vector<16xf32>,
      %parallel_loop3A_377 = tpu.vector_load_idx %arg7[%parallel_loop3A_102, %broadcast_in_dim3A_67] : memref<512x33xf32, #tpu.memory_space<vmem>>[vector<16xi32>, vector<16xi32>], vector<16xf32>,
      %parallel_loop3A_378 = arith.constant 3 : i32
      %parallel_loop3A_379 = arith.constant 5 : i32
      %parallel_loop3A_380 = arith.index_cast %parallel_loop3A_378 : i32 to index
      %parallel_loop3A_381 = arith.index_cast %parallel_loop3A_126 : i32 to index
      %parallel_loop3A_382 = arith.index_cast %parallel_loop3A_379 : i32 to index
      %parallel_loop3A_383 = arith.index_cast %parallel_loop3A_144 : i32 to index
      %parallel_loop3A_384 = tpu.vector_load %arg8[%parallel_loop3A_380, %parallel_loop3A_381, %parallel_loop3A_382, %parallel_loop3A_383] {strides = array<i32>} : memref<4x4x8x128xf32, #tpu.memory_space<vmem>>, vector<16xf32>,
      tpu.vector_store %arg8[%parallel_loop3A_380, %parallel_loop3A_381, %parallel_loop3A_382, %parallel_loop3A_383], %parallel_loop3A_377 {strides = array<i32>} : memref<4x4x8x128xf32, #tpu.memory_space<vmem>>, vector<16xf32>,
      %parallel_loop3A_385 = tpu.vector_load_idx %arg7[%parallel_loop3A_102, %broadcast_in_dim3A_69] : memref<512x33xf32, #tpu.memory_space<vmem>>[vector<16xi32>, vector<16xi32>], vector<16xf32>,
      %parallel_loop3A_386 = arith.constant 3 : i32
      %parallel_loop3A_387 = arith.constant 6 : i32
      %parallel_loop3A_388 = arith.index_cast %parallel_loop3A_386 : i32 to index
      %parallel_loop3A_389 = arith.index_cast %parallel_loop3A_126 : i32 to index
      %parallel_loop3A_390 = arith.index_cast %parallel_loop3A_387 : i32 to index
      %parallel_loop3A_391 = arith.index_cast %parallel_loop3A_144 : i32 to index
      %parallel_loop3A_392 = tpu.vector_load %arg8[%parallel_loop3A_388, %parallel_loop3A_389, %parallel_loop3A_390, %parallel_loop3A_391] {strides = array<i32>} : memref<4x4x8x128xf32, #tpu.memory_space<vmem>>, vector<16xf32>,
      tpu.vector_store %arg8[%parallel_loop3A_388, %parallel_loop3A_389, %parallel_loop3A_390, %parallel_loop3A_391], %parallel_loop3A_385 {strides = array<i32>} : memref<4x4x8x128xf32, #tpu.memory_space<vmem>>, vector<16xf32>,
      %parallel_loop3A_393 = tpu.vector_load_idx %arg7[%parallel_loop3A_102, %broadcast_in_dim3A_71] : memref<512x33xf32, #tpu.memory_space<vmem>>[vector<16xi32>, vector<16xi32>], vector<16xf32>,
      %parallel_loop3A_394 = arith.constant 3 : i32
      %parallel_loop3A_395 = arith.constant 7 : i32
      %parallel_loop3A_396 = arith.index_cast %parallel_loop3A_394 : i32 to index
      %parallel_loop3A_397 = arith.index_cast %parallel_loop3A_126 : i32 to index
      %parallel_loop3A_398 = arith.index_cast %parallel_loop3A_395 : i32 to index
      %parallel_loop3A_399 = arith.index_cast %parallel_loop3A_144 : i32 to index
      %parallel_loop3A_400 = tpu.vector_load %arg8[%parallel_loop3A_396, %parallel_loop3A_397, %parallel_loop3A_398, %parallel_loop3A_399] {strides = array<i32>} : memref<4x4x8x128xf32, #tpu.memory_space<vmem>>, vector<16xf32>,
      tpu.vector_store %arg8[%parallel_loop3A_396, %parallel_loop3A_397, %parallel_loop3A_398, %parallel_loop3A_399], %parallel_loop3A_393 {strides = array<i32>} : memref<4x4x8x128xf32, #tpu.memory_space<vmem>>, vector<16xf32>,
    } {sc.loop_unroll_factor = 8 : i64, sc.parallel_access}
    %jit3A = arith.constant 128 : i32
    %div3A = arith.divsi %mul3A_2, %jit3A : i32
    %sign3A = arith.constant 0 : i32
    %sign3A_75 = arith.cmpi sgt, %mul3A_2, %sign3A : i32
    %sign3A_76 = arith.extui %sign3A_75 : i1 to i32
    %sign3A_77 = arith.constant 0 : i32
    %sign3A_78 = arith.cmpi slt, %mul3A_2, %sign3A_77 : i32
    %sign3A_79 = arith.extui %sign3A_78 : i1 to i32
    %sign3A_80 = arith.subi %sign3A_76, %sign3A_79 : i32
    %sign3A_81 = arith.constant 0 : i32
    %sign3A_82 = arith.cmpi sgt, %jit3A, %sign3A_81 : i32
    %sign3A_83 = arith.extui %sign3A_82 : i1 to i32
    %sign3A_84 = arith.constant 0 : i32
    %sign3A_85 = arith.cmpi slt, %jit3A, %sign3A_84 : i32
    %sign3A_86 = arith.extui %sign3A_85 : i1 to i32
    %sign3A_87 = arith.subi %sign3A_83, %sign3A_86 : i32
    %ne3A = arith.cmpi ne, %sign3A_80, %sign3A_87 : i32
    %rem3A = arith.remsi %mul3A_2, %jit3A : i32
    %ne3A_88 = arith.constant 0 : i32
    %ne3A_89 = arith.cmpi ne, %rem3A, %ne3A_88 : i32
    %and3A = arith.andi %ne3A, %ne3A_89 : i1
    %sub3A = arith.constant 1 : i32
    %sub3A_90 = arith.subi %div3A, %sub3A : i32
    %select_n3A = arith.select %and3A, %sub3A_90, %div3A : i32
    %run_scoped3A = arith.constant 0 : i32
    %run_scoped3A_91 = arith.constant 0 : i32
    "tpu.region"() ({
      %run_scoped3A_98 = tpu.sem_alloc : memref<!tpu.dma_semaphore, #tpu.memory_space<semaphore_mem>>
      %dma_start3A_99 = arith.constant 0 : i32
      %dma_start3A_100 = arith.constant 0 : i32
      %dma_start3A_101 = arith.constant 0 : i32
      %dma_start3A_102 = tpu.memref_slice %arg8[%run_scoped3A, %dma_start3A_99, %dma_start3A_100, %dma_start3A_101] : memref<4x4x8x128xf32, #tpu.memory_space<vmem>> -> memref<1x4x8x128xf32, #tpu.memory_space<vmem>>
      %dma_start3A_103 = tpu.memref_squeeze %dma_start3A_102 : memref<1x4x8x128xf32, #tpu.memory_space<vmem>> -> memref<4x8x128xf32, #tpu.memory_space<vmem>>
      %dma_start3A_104 = arith.constant 0 : i32
      %dma_start3A_105 = arith.constant 0 : i32
      %dma_start3A_106 = tpu.memref_slice %arg4[%run_scoped3A_91, %select_n3A, %dma_start3A_104, %dma_start3A_105] : memref<4x128x8x128xf32, #tpu.memory_space<hbm>> -> memref<1x4x8x128xf32, #tpu.memory_space<hbm>>
      %dma_start3A_107 = tpu.memref_squeeze %dma_start3A_106 : memref<1x4x8x128xf32, #tpu.memory_space<hbm>> -> memref<4x8x128xf32, #tpu.memory_space<hbm>>
      %dma_start3A_108 = arith.constant 0 : i32
      %dma_start3A_109 = arith.constant 0 : i32
      %dma_start3A_110 = tpu.memref_slice %arg4[%run_scoped3A_91, %select_n3A, %dma_start3A_108, %dma_start3A_109] : memref<4x128x8x128xf32, #tpu.memory_space<hbm>> -> memref<1x4x8x128xf32, #tpu.memory_space<hbm>>
      %dma_start3A_111 = tpu.memref_squeeze %dma_start3A_110 : memref<1x4x8x128xf32, #tpu.memory_space<hbm>> -> memref<4x8x128xf32, #tpu.memory_space<hbm>>
      %dma_start3A_112 = arith.constant 0 : i32
      %dma_start3A_113 = arith.constant 0 : i32
      %dma_start3A_114 = arith.constant 0 : i32
      %dma_start3A_115 = tpu.memref_slice %arg8[%run_scoped3A, %dma_start3A_112, %dma_start3A_113, %dma_start3A_114] : memref<4x4x8x128xf32, #tpu.memory_space<vmem>> -> memref<1x4x8x128xf32, #tpu.memory_space<vmem>>
      %dma_start3A_116 = tpu.memref_squeeze %dma_start3A_115 : memref<1x4x8x128xf32, #tpu.memory_space<vmem>> -> memref<4x8x128xf32, #tpu.memory_space<vmem>>
      tpu.enqueue_dma source(%dma_start3A_116 : memref<4x8x128xf32, #tpu.memory_space<vmem>>) target(%dma_start3A_111 : memref<4x8x128xf32, #tpu.memory_space<hbm>>) target_semaphore(%run_scoped3A_98 : memref<!tpu.dma_semaphore, #tpu.memory_space<semaphore_mem>>)
      %dma_wait3A_117 = arith.constant 0 : i32
      %dma_wait3A_118 = arith.constant 0 : i32
      %dma_wait3A_119 = arith.constant 0 : i32
      %dma_wait3A_120 = tpu.memref_slice %arg8[%run_scoped3A, %dma_wait3A_117, %dma_wait3A_118, %dma_wait3A_119] : memref<4x4x8x128xf32, #tpu.memory_space<vmem>> -> memref<1x4x8x128xf32, #tpu.memory_space<vmem>>
      %dma_wait3A_121 = tpu.memref_squeeze %dma_wait3A_120 : memref<1x4x8x128xf32, #tpu.memory_space<vmem>> -> memref<4x8x128xf32, #tpu.memory_space<vmem>>
      %dma_wait3A_122 = arith.constant 0 : i32
      %dma_wait3A_123 = arith.constant 0 : i32
      %dma_wait3A_124 = tpu.memref_slice %arg4[%run_scoped3A_91, %select_n3A, %dma_wait3A_122, %dma_wait3A_123] : memref<4x128x8x128xf32, #tpu.memory_space<hbm>> -> memref<1x4x8x128xf32, #tpu.memory_space<hbm>>
      %dma_wait3A_125 = tpu.memref_squeeze %dma_wait3A_124 : memref<1x4x8x128xf32, #tpu.memory_space<hbm>> -> memref<4x8x128xf32, #tpu.memory_space<hbm>>
      %dma_wait3A_126 = arith.constant 0 : i32
      %dma_wait3A_127 = arith.constant 0 : i32
      %dma_wait3A_128 = tpu.memref_slice %arg4[%run_scoped3A_91, %select_n3A, %dma_wait3A_126, %dma_wait3A_127] : memref<4x128x8x128xf32, #tpu.memory_space<hbm>> -> memref<1x4x8x128xf32, #tpu.memory_space<hbm>>
      %dma_wait3A_129 = tpu.memref_squeeze %dma_wait3A_128 : memref<1x4x8x128xf32, #tpu.memory_space<hbm>> -> memref<4x8x128xf32, #tpu.memory_space<hbm>>
      %dma_wait3A_130 = arith.constant 0 : i32
      %dma_wait3A_131 = arith.constant 0 : i32
      %dma_wait3A_132 = arith.constant 0 : i32
      %dma_wait3A_133 = tpu.memref_slice %arg8[%run_scoped3A, %dma_wait3A_130, %dma_wait3A_131, %dma_wait3A_132] : memref<4x4x8x128xf32, #tpu.memory_space<vmem>> -> memref<1x4x8x128xf32, #tpu.memory_space<vmem>>
      %dma_wait3A_134 = tpu.memref_squeeze %dma_wait3A_133 : memref<1x4x8x128xf32, #tpu.memory_space<vmem>> -> memref<4x8x128xf32, #tpu.memory_space<vmem>>
      tpu.wait_dma2 semaphore(%run_scoped3A_98 : memref<!tpu.dma_semaphore, #tpu.memory_space<semaphore_mem>>) src(%dma_wait3A_134 : memref<4x8x128xf32, #tpu.memory_space<vmem>>) dst(%dma_wait3A_129 : memref<4x8x128xf32, #tpu.memory_space<hbm>>)
      tpu.yield
    }) : () -> ()
    %run_scoped3A_92 = arith.constant 1 : i32
    %run_scoped3A_93 = arith.constant 1 : i32
    "tpu.region"() ({
      %run_scoped3A_98 = tpu.sem_alloc : memref<!tpu.dma_semaphore, #tpu.memory_space<semaphore_mem>>
      %dma_start3A_99 = arith.constant 0 : i32
      %dma_start3A_100 = arith.constant 0 : i32
      %dma_start3A_101 = arith.constant 0 : i32
      %dma_start3A_102 = tpu.memref_slice %arg8[%run_scoped3A_92, %dma_start3A_99, %dma_start3A_100, %dma_start3A_101] : memref<4x4x8x128xf32, #tpu.memory_space<vmem>> -> memref<1x4x8x128xf32, #tpu.memory_space<vmem>>
      %dma_start3A_103 = tpu.memref_squeeze %dma_start3A_102 : memref<1x4x8x128xf32, #tpu.memory_space<vmem>> -> memref<4x8x128xf32, #tpu.memory_space<vmem>>
      %dma_start3A_104 = arith.constant 0 : i32
      %dma_start3A_105 = arith.constant 0 : i32
      %dma_start3A_106 = tpu.memref_slice %arg4[%run_scoped3A_93, %select_n3A, %dma_start3A_104, %dma_start3A_105] : memref<4x128x8x128xf32, #tpu.memory_space<hbm>> -> memref<1x4x8x128xf32, #tpu.memory_space<hbm>>
      %dma_start3A_107 = tpu.memref_squeeze %dma_start3A_106 : memref<1x4x8x128xf32, #tpu.memory_space<hbm>> -> memref<4x8x128xf32, #tpu.memory_space<hbm>>
      %dma_start3A_108 = arith.constant 0 : i32
      %dma_start3A_109 = arith.constant 0 : i32
      %dma_start3A_110 = tpu.memref_slice %arg4[%run_scoped3A_93, %select_n3A, %dma_start3A_108, %dma_start3A_109] : memref<4x128x8x128xf32, #tpu.memory_space<hbm>> -> memref<1x4x8x128xf32, #tpu.memory_space<hbm>>
      %dma_start3A_111 = tpu.memref_squeeze %dma_start3A_110 : memref<1x4x8x128xf32, #tpu.memory_space<hbm>> -> memref<4x8x128xf32, #tpu.memory_space<hbm>>
      %dma_start3A_112 = arith.constant 0 : i32
      %dma_start3A_113 = arith.constant 0 : i32
      %dma_start3A_114 = arith.constant 0 : i32
      %dma_start3A_115 = tpu.memref_slice %arg8[%run_scoped3A_92, %dma_start3A_112, %dma_start3A_113, %dma_start3A_114] : memref<4x4x8x128xf32, #tpu.memory_space<vmem>> -> memref<1x4x8x128xf32, #tpu.memory_space<vmem>>
      %dma_start3A_116 = tpu.memref_squeeze %dma_start3A_115 : memref<1x4x8x128xf32, #tpu.memory_space<vmem>> -> memref<4x8x128xf32, #tpu.memory_space<vmem>>
      tpu.enqueue_dma source(%dma_start3A_116 : memref<4x8x128xf32, #tpu.memory_space<vmem>>) target(%dma_start3A_111 : memref<4x8x128xf32, #tpu.memory_space<hbm>>) target_semaphore(%run_scoped3A_98 : memref<!tpu.dma_semaphore, #tpu.memory_space<semaphore_mem>>)
      %dma_wait3A_117 = arith.constant 0 : i32
      %dma_wait3A_118 = arith.constant 0 : i32
      %dma_wait3A_119 = arith.constant 0 : i32
      %dma_wait3A_120 = tpu.memref_slice %arg8[%run_scoped3A_92, %dma_wait3A_117, %dma_wait3A_118, %dma_wait3A_119] : memref<4x4x8x128xf32, #tpu.memory_space<vmem>> -> memref<1x4x8x128xf32, #tpu.memory_space<vmem>>
      %dma_wait3A_121 = tpu.memref_squeeze %dma_wait3A_120 : memref<1x4x8x128xf32, #tpu.memory_space<vmem>> -> memref<4x8x128xf32, #tpu.memory_space<vmem>>
      %dma_wait3A_122 = arith.constant 0 : i32
      %dma_wait3A_123 = arith.constant 0 : i32
      %dma_wait3A_124 = tpu.memref_slice %arg4[%run_scoped3A_93, %select_n3A, %dma_wait3A_122, %dma_wait3A_123] : memref<4x128x8x128xf32, #tpu.memory_space<hbm>> -> memref<1x4x8x128xf32, #tpu.memory_space<hbm>>
      %dma_wait3A_125 = tpu.memref_squeeze %dma_wait3A_124 : memref<1x4x8x128xf32, #tpu.memory_space<hbm>> -> memref<4x8x128xf32, #tpu.memory_space<hbm>>
      %dma_wait3A_126 = arith.constant 0 : i32
      %dma_wait3A_127 = arith.constant 0 : i32
      %dma_wait3A_128 = tpu.memref_slice %arg4[%run_scoped3A_93, %select_n3A, %dma_wait3A_126, %dma_wait3A_127] : memref<4x128x8x128xf32, #tpu.memory_space<hbm>> -> memref<1x4x8x128xf32, #tpu.memory_space<hbm>>
      %dma_wait3A_129 = tpu.memref_squeeze %dma_wait3A_128 : memref<1x4x8x128xf32, #tpu.memory_space<hbm>> -> memref<4x8x128xf32, #tpu.memory_space<hbm>>
      %dma_wait3A_130 = arith.constant 0 : i32
      %dma_wait3A_131 = arith.constant 0 : i32
      %dma_wait3A_132 = arith.constant 0 : i32
      %dma_wait3A_133 = tpu.memref_slice %arg8[%run_scoped3A_92, %dma_wait3A_130, %dma_wait3A_131, %dma_wait3A_132] : memref<4x4x8x128xf32, #tpu.memory_space<vmem>> -> memref<1x4x8x128xf32, #tpu.memory_space<vmem>>
      %dma_wait3A_134 = tpu.memref_squeeze %dma_wait3A_133 : memref<1x4x8x128xf32, #tpu.memory_space<vmem>> -> memref<4x8x128xf32, #tpu.memory_space<vmem>>
      tpu.wait_dma2 semaphore(%run_scoped3A_98 : memref<!tpu.dma_semaphore, #tpu.memory_space<semaphore_mem>>) src(%dma_wait3A_134 : memref<4x8x128xf32, #tpu.memory_space<vmem>>) dst(%dma_wait3A_129 : memref<4x8x128xf32, #tpu.memory_space<hbm>>)
      tpu.yield
    }) : () -> ()
    %run_scoped3A_94 = arith.constant 2 : i32
    %run_scoped3A_95 = arith.constant 2 : i32
    "tpu.region"() ({
      %run_scoped3A_98 = tpu.sem_alloc : memref<!tpu.dma_semaphore, #tpu.memory_space<semaphore_mem>>
      %dma_start3A_99 = arith.constant 0 : i32
      %dma_start3A_100 = arith.constant 0 : i32
      %dma_start3A_101 = arith.constant 0 : i32
      %dma_start3A_102 = tpu.memref_slice %arg8[%run_scoped3A_94, %dma_start3A_99, %dma_start3A_100, %dma_start3A_101] : memref<4x4x8x128xf32, #tpu.memory_space<vmem>> -> memref<1x4x8x128xf32, #tpu.memory_space<vmem>>
      %dma_start3A_103 = tpu.memref_squeeze %dma_start3A_102 : memref<1x4x8x128xf32, #tpu.memory_space<vmem>> -> memref<4x8x128xf32, #tpu.memory_space<vmem>>
      %dma_start3A_104 = arith.constant 0 : i32
      %dma_start3A_105 = arith.constant 0 : i32
      %dma_start3A_106 = tpu.memref_slice %arg4[%run_scoped3A_95, %select_n3A, %dma_start3A_104, %dma_start3A_105] : memref<4x128x8x128xf32, #tpu.memory_space<hbm>> -> memref<1x4x8x128xf32, #tpu.memory_space<hbm>>
      %dma_start3A_107 = tpu.memref_squeeze %dma_start3A_106 : memref<1x4x8x128xf32, #tpu.memory_space<hbm>> -> memref<4x8x128xf32, #tpu.memory_space<hbm>>
      %dma_start3A_108 = arith.constant 0 : i32
      %dma_start3A_109 = arith.constant 0 : i32
      %dma_start3A_110 = tpu.memref_slice %arg4[%run_scoped3A_95, %select_n3A, %dma_start3A_108, %dma_start3A_109] : memref<4x128x8x128xf32, #tpu.memory_space<hbm>> -> memref<1x4x8x128xf32, #tpu.memory_space<hbm>>
      %dma_start3A_111 = tpu.memref_squeeze %dma_start3A_110 : memref<1x4x8x128xf32, #tpu.memory_space<hbm>> -> memref<4x8x128xf32, #tpu.memory_space<hbm>>
      %dma_start3A_112 = arith.constant 0 : i32
      %dma_start3A_113 = arith.constant 0 : i32
      %dma_start3A_114 = arith.constant 0 : i32
      %dma_start3A_115 = tpu.memref_slice %arg8[%run_scoped3A_94, %dma_start3A_112, %dma_start3A_113, %dma_start3A_114] : memref<4x4x8x128xf32, #tpu.memory_space<vmem>> -> memref<1x4x8x128xf32, #tpu.memory_space<vmem>>
      %dma_start3A_116 = tpu.memref_squeeze %dma_start3A_115 : memref<1x4x8x128xf32, #tpu.memory_space<vmem>> -> memref<4x8x128xf32, #tpu.memory_space<vmem>>
      tpu.enqueue_dma source(%dma_start3A_116 : memref<4x8x128xf32, #tpu.memory_space<vmem>>) target(%dma_start3A_111 : memref<4x8x128xf32, #tpu.memory_space<hbm>>) target_semaphore(%run_scoped3A_98 : memref<!tpu.dma_semaphore, #tpu.memory_space<semaphore_mem>>)
      %dma_wait3A_117 = arith.constant 0 : i32
      %dma_wait3A_118 = arith.constant 0 : i32
      %dma_wait3A_119 = arith.constant 0 : i32
      %dma_wait3A_120 = tpu.memref_slice %arg8[%run_scoped3A_94, %dma_wait3A_117, %dma_wait3A_118, %dma_wait3A_119] : memref<4x4x8x128xf32, #tpu.memory_space<vmem>> -> memref<1x4x8x128xf32, #tpu.memory_space<vmem>>
      %dma_wait3A_121 = tpu.memref_squeeze %dma_wait3A_120 : memref<1x4x8x128xf32, #tpu.memory_space<vmem>> -> memref<4x8x128xf32, #tpu.memory_space<vmem>>
      %dma_wait3A_122 = arith.constant 0 : i32
      %dma_wait3A_123 = arith.constant 0 : i32
      %dma_wait3A_124 = tpu.memref_slice %arg4[%run_scoped3A_95, %select_n3A, %dma_wait3A_122, %dma_wait3A_123] : memref<4x128x8x128xf32, #tpu.memory_space<hbm>> -> memref<1x4x8x128xf32, #tpu.memory_space<hbm>>
      %dma_wait3A_125 = tpu.memref_squeeze %dma_wait3A_124 : memref<1x4x8x128xf32, #tpu.memory_space<hbm>> -> memref<4x8x128xf32, #tpu.memory_space<hbm>>
      %dma_wait3A_126 = arith.constant 0 : i32
      %dma_wait3A_127 = arith.constant 0 : i32
      %dma_wait3A_128 = tpu.memref_slice %arg4[%run_scoped3A_95, %select_n3A, %dma_wait3A_126, %dma_wait3A_127] : memref<4x128x8x128xf32, #tpu.memory_space<hbm>> -> memref<1x4x8x128xf32, #tpu.memory_space<hbm>>
      %dma_wait3A_129 = tpu.memref_squeeze %dma_wait3A_128 : memref<1x4x8x128xf32, #tpu.memory_space<hbm>> -> memref<4x8x128xf32, #tpu.memory_space<hbm>>
      %dma_wait3A_130 = arith.constant 0 : i32
      %dma_wait3A_131 = arith.constant 0 : i32
      %dma_wait3A_132 = arith.constant 0 : i32
      %dma_wait3A_133 = tpu.memref_slice %arg8[%run_scoped3A_94, %dma_wait3A_130, %dma_wait3A_131, %dma_wait3A_132] : memref<4x4x8x128xf32, #tpu.memory_space<vmem>> -> memref<1x4x8x128xf32, #tpu.memory_space<vmem>>
      %dma_wait3A_134 = tpu.memref_squeeze %dma_wait3A_133 : memref<1x4x8x128xf32, #tpu.memory_space<vmem>> -> memref<4x8x128xf32, #tpu.memory_space<vmem>>
      tpu.wait_dma2 semaphore(%run_scoped3A_98 : memref<!tpu.dma_semaphore, #tpu.memory_space<semaphore_mem>>) src(%dma_wait3A_134 : memref<4x8x128xf32, #tpu.memory_space<vmem>>) dst(%dma_wait3A_129 : memref<4x8x128xf32, #tpu.memory_space<hbm>>)
      tpu.yield
    }) : () -> ()
    %run_scoped3A_96 = arith.constant 3 : i32
    %run_scoped3A_97 = arith.constant 3 : i32
    "tpu.region"() ({
      %run_scoped3A_98 = tpu.sem_alloc : memref<!tpu.dma_semaphore, #tpu.memory_space<semaphore_mem>>
      %dma_start3A_99 = arith.constant 0 : i32
      %dma_start3A_100 = arith.constant 0 : i32
      %dma_start3A_101 = arith.constant 0 : i32
      %dma_start3A_102 = tpu.memref_slice %arg8[%run_scoped3A_96, %dma_start3A_99, %dma_start3A_100, %dma_start3A_101] : memref<4x4x8x128xf32, #tpu.memory_space<vmem>> -> memref<1x4x8x128xf32, #tpu.memory_space<vmem>>
      %dma_start3A_103 = tpu.memref_squeeze %dma_start3A_102 : memref<1x4x8x128xf32, #tpu.memory_space<vmem>> -> memref<4x8x128xf32, #tpu.memory_space<vmem>>
      %dma_start3A_104 = arith.constant 0 : i32
      %dma_start3A_105 = arith.constant 0 : i32
      %dma_start3A_106 = tpu.memref_slice %arg4[%run_scoped3A_97, %select_n3A, %dma_start3A_104, %dma_start3A_105] : memref<4x128x8x128xf32, #tpu.memory_space<hbm>> -> memref<1x4x8x128xf32, #tpu.memory_space<hbm>>
      %dma_start3A_107 = tpu.memref_squeeze %dma_start3A_106 : memref<1x4x8x128xf32, #tpu.memory_space<hbm>> -> memref<4x8x128xf32, #tpu.memory_space<hbm>>
      %dma_start3A_108 = arith.constant 0 : i32
      %dma_start3A_109 = arith.constant 0 : i32
      %dma_start3A_110 = tpu.memref_slice %arg4[%run_scoped3A_97, %select_n3A, %dma_start3A_108, %dma_start3A_109] : memref<4x128x8x128xf32, #tpu.memory_space<hbm>> -> memref<1x4x8x128xf32, #tpu.memory_space<hbm>>
      %dma_start3A_111 = tpu.memref_squeeze %dma_start3A_110 : memref<1x4x8x128xf32, #tpu.memory_space<hbm>> -> memref<4x8x128xf32, #tpu.memory_space<hbm>>
      %dma_start3A_112 = arith.constant 0 : i32
      %dma_start3A_113 = arith.constant 0 : i32
      %dma_start3A_114 = arith.constant 0 : i32
      %dma_start3A_115 = tpu.memref_slice %arg8[%run_scoped3A_96, %dma_start3A_112, %dma_start3A_113, %dma_start3A_114] : memref<4x4x8x128xf32, #tpu.memory_space<vmem>> -> memref<1x4x8x128xf32, #tpu.memory_space<vmem>>
      %dma_start3A_116 = tpu.memref_squeeze %dma_start3A_115 : memref<1x4x8x128xf32, #tpu.memory_space<vmem>> -> memref<4x8x128xf32, #tpu.memory_space<vmem>>
      tpu.enqueue_dma source(%dma_start3A_116 : memref<4x8x128xf32, #tpu.memory_space<vmem>>) target(%dma_start3A_111 : memref<4x8x128xf32, #tpu.memory_space<hbm>>) target_semaphore(%run_scoped3A_98 : memref<!tpu.dma_semaphore, #tpu.memory_space<semaphore_mem>>)
      %dma_wait3A_117 = arith.constant 0 : i32
      %dma_wait3A_118 = arith.constant 0 : i32
      %dma_wait3A_119 = arith.constant 0 : i32
      %dma_wait3A_120 = tpu.memref_slice %arg8[%run_scoped3A_96, %dma_wait3A_117, %dma_wait3A_118, %dma_wait3A_119] : memref<4x4x8x128xf32, #tpu.memory_space<vmem>> -> memref<1x4x8x128xf32, #tpu.memory_space<vmem>>
      %dma_wait3A_121 = tpu.memref_squeeze %dma_wait3A_120 : memref<1x4x8x128xf32, #tpu.memory_space<vmem>> -> memref<4x8x128xf32, #tpu.memory_space<vmem>>
      %dma_wait3A_122 = arith.constant 0 : i32
      %dma_wait3A_123 = arith.constant 0 : i32
      %dma_wait3A_124 = tpu.memref_slice %arg4[%run_scoped3A_97, %select_n3A, %dma_wait3A_122, %dma_wait3A_123] : memref<4x128x8x128xf32, #tpu.memory_space<hbm>> -> memref<1x4x8x128xf32, #tpu.memory_space<hbm>>
      %dma_wait3A_125 = tpu.memref_squeeze %dma_wait3A_124 : memref<1x4x8x128xf32, #tpu.memory_space<hbm>> -> memref<4x8x128xf32, #tpu.memory_space<hbm>>
      %dma_wait3A_126 = arith.constant 0 : i32
      %dma_wait3A_127 = arith.constant 0 : i32
      %dma_wait3A_128 = tpu.memref_slice %arg4[%run_scoped3A_97, %select_n3A, %dma_wait3A_126, %dma_wait3A_127] : memref<4x128x8x128xf32, #tpu.memory_space<hbm>> -> memref<1x4x8x128xf32, #tpu.memory_space<hbm>>
      %dma_wait3A_129 = tpu.memref_squeeze %dma_wait3A_128 : memref<1x4x8x128xf32, #tpu.memory_space<hbm>> -> memref<4x8x128xf32, #tpu.memory_space<hbm>>
      %dma_wait3A_130 = arith.constant 0 : i32
      %dma_wait3A_131 = arith.constant 0 : i32
      %dma_wait3A_132 = arith.constant 0 : i32
      %dma_wait3A_133 = tpu.memref_slice %arg8[%run_scoped3A_96, %dma_wait3A_130, %dma_wait3A_131, %dma_wait3A_132] : memref<4x4x8x128xf32, #tpu.memory_space<vmem>> -> memref<1x4x8x128xf32, #tpu.memory_space<vmem>>
      %dma_wait3A_134 = tpu.memref_squeeze %dma_wait3A_133 : memref<1x4x8x128xf32, #tpu.memory_space<vmem>> -> memref<4x8x128xf32, #tpu.memory_space<vmem>>
      tpu.wait_dma2 semaphore(%run_scoped3A_98 : memref<!tpu.dma_semaphore, #tpu.memory_space<semaphore_mem>>) src(%dma_wait3A_134 : memref<4x8x128xf32, #tpu.memory_space<vmem>>) dst(%dma_wait3A_129 : memref<4x8x128xf32, #tpu.memory_space<hbm>>)
      tpu.yield
    }) : () -> ()
    return
  }
}

</mosaic_0001>

<sc_bundles>
// kernel: kernel.3.cloned.1.call-start
scs
__scs_entry_jumppad:
0x0: {  	(pc) =	sbr.rel $0x88, $3  }
0x1: {  	(tag) =	ssettag $0x0;
	lr =	simm.s32 $0x1  }
0x2: {  	[smem:$0x3F9F] =	sst lr;
	_ =	strace $0xD0000000  }
0x3: {  	_ = 	snop  }
0x4: {  	_ = 	snop  }
0x5: {  	_ = 	snop  }
0x6: {  	_ = 	snop  }
0x7: {  	_ = 	snop  }
__scs_overlays_trampoline_lowered:
0x8: {  	[smem:$0x3FAE] =	sst s0  }
0x9: {  	[smem:$0x3FAF] =	sst s1  }
0xa: {  	[smem:$0x3FB0] =	sst s2  }
0xb: {  	[smem:$0x3FB1] =	sst s3  }
0xc: {  	[smem:$0x3FB2] =	sst s4  }
0xd: {  	[smem:$0x3FB3] =	sst s5  }
0xe: {  	[smem:$0x3FB4] =	sst s6  }
0xf: {  	[smem:$0x3FB5] =	sst s7  }
0x10: {  	[smem:$0x3FB6] =	sst s8  }
0x11: {  	[smem:$0x3FB7] =	sst s9;
	s0 =	simm.s32 @!p0 $0x0  }
0x12: {  	s1 =	sld [smem:$0x3F9D];
	s0 =	simm.s32 @p0 $0x1  }
0x13: {  	[smem:$0x3FB8] =	sst s0;
	s0 =	simm.s32 @!p1 $0x0  }
0x14: {  	s2 =	sld [smem:$0x3F9C];
	s0 =	simm.s32 @p1 $0x1  }
0x15: {  	[smem:$0x3FB9] =	sst s0;
	s0 =	simm.s32 @!p2 $0x0  }
0x16: {  	s3 =	sld [smem:$0x3FDB];
	s0 =	simm.s32 @p2 $0x1  }
0x17: {  	s4 =	simm.s32 $0x1BF5;
	[smem:$0x3FBB] =	sst s0  }
0x18: {  	s0 =	sld [smem:$0x3F9E];
	_ =	swait.ge [sflag:s4], $0x0  }
0x19: {  	s7 =	sld [smem:$0x3F9F]  }
0x1a: {  	s8 =	sadd.s32 $0xFFFFE003, lr  }
0x1b: {  	s9 =	sadd.s32 $0xFFFFFEF7, lr;
	s5 =	simm.s32 $0xFFFFFFFF;
	p2 =	slt.u32 s8, $0xFFFFF086  }
0x1c: {  	p1 =	slt.u32 s9, $0xF7A;
	s5 =	simm.s32 @!p2 $0x0  }
0x1d: {  	s5 =	simm.s32 @p1 $0x1;
	p0 =	seq.s32 s7, s2  }
0x1e: {  	s7 =	smul.u32 @!p0 $0xF7A, s2;
	p2 =	seq.s32 @!p0 s5, $0x0  }
0x1f: {  	s9 =	smul.u32 $0xF7A, s1;
	s8 =	simm.s32 @!p0 $0x1BF5;
	p2 =	por !p2, p0  }
0x20: {  	[sflag:s8] =	ssyncset.s32 @!p0 $0xFFFFF086;
	s6 =	sadd.s32 @!p0 s3, s7;
	s7 =	simm.s32 @!p0 $0x108  }
0x21: {  	s3 =	sadd.s32 s3, s9;
	s6 =	sadd.s32 @!p0 $0x88, s6;
	s7 =	simm.s32 @p2 $0x1082  }
0x22: {  	[simem:s7], [sflag:s8] =	dma.local @!p0 [hbm:s6], $0xF7A  }
0x23: {  	s9 =	sor.u32 $0xD0000000, s2;
	s6 =	simm.s32 $0x108;
	_ =	swait.ge @!p0 [sflag:s8], $0x0  }
0x24: {  	s3 =	sadd.s32 $0x88, s3;
	s6 =	simm.s32 @!p1 $0x1082;
	[sflag:s4] =	ssyncset.s32 $0xFFFFF086  }
0x25: {  	[simem:s6], [sflag:s4] =	dma.local [hbm:s3], $0xF7A  }
0x26: {  	[smem:$0x3F9F] =	sst s1;
	(tag) =	ssettag s2;
	_ =	strace s9  }
0x27: {  	s1 =	sld [smem:$0x3FAF]  }
0x28: {  	s2 =	sld [smem:$0x3FB0]  }
0x29: {  	s4 =	sld [smem:$0x3FB2]  }
0x2a: {  	p0 =	seq.s32 s5, $0x0;
	s5 =	sld [smem:$0x3FB3]  }
0x2b: {  	s6 =	sld [smem:$0x3FB4]  }
0x2c: {  	s7 =	sld [smem:$0x3FB5]  }
0x2d: {  	s3 =	simm.s32 $0x108;
	s8 =	sld [smem:$0x3FB6]  }
0x2e: {  	s3 =	simm.s32 @!p0 $0x1082;
	s9 =	sld [smem:$0x3FB7]  }
0x2f: {  	lr =	sadd.s32 s0, s3;
	s0 =	sld [smem:$0x3FAE]  }
0x30: {  	s3 =	sld [smem:$0x3FB1]  }
0x31: {  	[smem:$0x3FBA] =	sst s10  }
0x32: {  	s10 =	sld [smem:$0x3FB8];
	_ =	sdelay $0x3  }
0x33: {  	p0 =	seq.s32 s10, $0x1;
	s10 =	sld [smem:$0x3FBA];
	_ =	sdelay $0x3  }
0x34: {  	[smem:$0x3FBA] =	sst s10  }
0x35: {  	s10 =	sld [smem:$0x3FB9];
	_ =	sdelay $0x3  }
0x36: {  	p1 =	seq.s32 s10, $0x1;
	s10 =	sld [smem:$0x3FBA];
	_ =	sdelay $0x3  }
0x37: {  	[smem:$0x3FBA] =	sst s10  }
0x38: {  	s10 =	sld [smem:$0x3FBB]  }
0x39: {  	_ = 	snop;
	(pc) =	sbr.ind lr, $3  }
0x3a: {  	_ = 	snop  }
0x3b: {  	_ = 	snop  }
0x3c: {  	p2 =	seq.s32 s10, $0x1;
	s10 =	sld [smem:$0x3FBA]  }
0x3d: {  	_ =	shalt  }
0x3e: {  	_ =	shalt  }
0x3f: {  	_ =	shalt  }
0x40: {  	_ =	shalt  }
0x41: {  	_ =	shalt  }
0x42: {  	_ =	shalt  }
0x43: {  	_ =	shalt  }
0x44: {  	_ =	shalt  }
0x45: {  	_ =	shalt  }
0x46: {  	_ =	shalt  }
0x47: {  	_ =	shalt  }
0x48: {  	_ =	shalt  }
0x49: {  	_ =	shalt  }
0x4a: {  	_ =	shalt  }
0x4b: {  	_ =	shalt  }
0x4c: {  	_ =	shalt  }
0x4d: {  	_ =	shalt  }
0x4e: {  	_ =	shalt  }
0x4f: {  	_ =	shalt  }
0x50: {  	_ =	shalt  }
0x51: {  	_ =	shalt  }
0x52: {  	_ =	shalt  }
0x53: {  	_ =	shalt  }
0x54: {  	_ =	shalt  }
0x55: {  	_ =	shalt  }
0x56: {  	_ =	shalt  }
0x57: {  	_ =	shalt  }
0x58: {  	_ =	shalt  }
0x59: {  	_ =	shalt  }
0x5a: {  	_ =	shalt  }
0x5b: {  	_ =	shalt  }
0x5c: {  	_ =	shalt  }
0x5d: {  	_ =	shalt  }
0x5e: {  	_ =	shalt  }
0x5f: {  	_ =	shalt  }
0x60: {  	_ =	shalt  }
0x61: {  	_ =	shalt  }
0x62: {  	_ =	shalt  }
0x63: {  	_ =	shalt  }
0x64: {  	_ =	shalt  }
0x65: {  	_ =	shalt  }
0x66: {  	_ =	shalt  }
0x67: {  	_ =	shalt  }
0x68: {  	_ =	shalt  }
0x69: {  	_ =	shalt  }
0x6a: {  	_ =	shalt  }
0x6b: {  	_ =	shalt  }
0x6c: {  	_ =	shalt  }
0x6d: {  	_ =	shalt  }
0x6e: {  	_ =	shalt  }
0x6f: {  	_ =	shalt  }
0x70: {  	_ =	shalt  }
0x71: {  	_ =	shalt  }
0x72: {  	_ =	shalt  }
0x73: {  	_ =	shalt  }
0x74: {  	_ =	shalt  }
0x75: {  	_ =	shalt  }
0x76: {  	_ =	shalt  }
0x77: {  	_ =	shalt  }
0x78: {  	_ =	shalt  }
0x79: {  	_ =	shalt  }
0x7a: {  	_ =	shalt  }
0x7b: {  	_ =	shalt  }
0x7c: {  	_ =	shalt  }
0x7d: {  	_ =	shalt  }
0x7e: {  	_ =	shalt  }
0x7f: {  	_ =	shalt  }
0x80: {  	_ =	shalt  }
0x81: {  	_ =	shalt  }
0x82: {  	_ =	shalt  }
0x83: {  	_ =	shalt  }
0x84: {  	_ =	shalt  }
0x85: {  	_ =	shalt  }
0x86: {  	_ =	shalt  }
0x87: {  	_ =	shalt  }
.Lfunc_end0:
.L_simem_size_0:
called_computation_lowered:
.L_overlay_start_0:
0x88: {  	s2 =	sld [smem:$0x3FD9]  }
0x89: {  	s3 =	sld [smem:$0x3FFE];
	_ =	sdelay $0x1  }
0x8a: {  	s1 =	srdreg.scid  }
0x8b: {  	s0 =	sand.u32 $0x1, s1  }
0x8c: {  	s17 =	sshll.u32 s0, $0xA;
	s2 =	sadd.s32 s3, s2  }
0x8d: {  	s2 =	sadd.s32 s2, s17  }
0x8e: {  	[smem:$0x3FC6] =	sst s2  }
0x8f: {  	_ = 	snop  }
0x90: {  	s2 =	sld [smem:$0x3FC9]  }
0x91: {  	s18 =	sld [smem:$0x3FD0];
	(tm) =	ssettm $0x1  }
0x92: {  	s4 =	sld [smem:$0x3FFB];
	_ =	sdelay $0x3  }
0x93: {  	_ =	strace s4  }
0x94: {  	s4 =	sld [smem:$0x3FFC];
	_ =	sdelay $0x3  }
0x95: {  	_ =	strace s4  }
0x96: {  	s4 =	sld [smem:$0x3FFD];
	_ =	sdelay $0x3  }
0x97: {  	_ =	strace s4  }
0x98: {  	_ =	strace $0x8FFFFFFF  }
0x99: {  	s19 =	sld [smem:$0x3FDB];
	_ =	sdelay $0x1  }
0x9a: {  	s5 =	simm.s32 $_scs_section_size  }
0x9b: {  	s6 =	simm.s32 $_size__tile_overlayer_lowered;
	s7 =	simm.s32 $_tile_overlayer_lowered  }
0x9c: {  	s22 =	simm.s32 $0x1BFF;
	s21 =	sshll.u32 s7, $0x1;
	s4 =	sadd.s32 s5, s19  }
0x9d: {  	s8 =	simm.s32 $0x0;
	s20 =	sshll.u32 s6, $0x1;
	s6 =	sadd.s32 s21, s4  }
0x9e: {  	[timem:s8], [sflag:s22] =	dma.local [hbm:s6], s20  }
0x9f: {  	_ =	swait.ge [sflag:s22], s20  }
0xa0: {  	s5 =	ssub.s32 $0x0, s20;
	[sflag:s22] =	ssyncset.done $0x0  }
0xa1: {  	[sflag:s22] =	ssyncadd.s32 s5;
	_ =	sdelay $0x1  }
0xa2: {  	s23 =	simm.s32 $0x1B8B  }
0xa3: {  	_ =	swait.ge [sflag:s23], $0x1  }
0xa4: {  	[sflag:s23] =	ssyncset.done $0x0  }
0xa5: {  	s25 =	simm.s32 $0x1B8E;
	s24 =	sld [smem:$0x3FFE];
	[sflag:s23] =	ssyncadd.s32 $0xFFFFFFFF  }
0xa6: {  	s26 =	simm.s32 $execute0_lowered;
	[smem:$0x3FD2] =	sst s25  }
0xa7: {  	s6 =	sshll.u32 s26, $0x1;
	_ =	strace $0x80000046;
	[dreg:$0x1] =	wrdreg $0xFFFFFFFF  }
0xa8: {  	s28 =	simm.s32 $_size_execute0_lowered;
	s4 =	sadd.s32 s4, s6;
	[dreg:$0x0] =	wrdreg $0x0  }
0xa9: {  	s6 =	sshll.u32 s28, $0x1;
	[dreg:$0x2] =	wrdreg s4  }
0xaa: {  	[dreg:$0x3] =	wrdreg s6  }
0xab: {  	[dreg:$0x4] =	wrdreg $0xC0  }
0xac: {  	_ =	task [dreg:s8], $0x5FFFF  }
0xad: {  	[dreg:$0x1] =	wrdreg $0xFFFFFFFF  }
0xae: {  	[dreg:$0x0] =	wrdreg $0x60  }
0xaf: {  	[dreg:$0x2] =	wrdreg s2  }
0xb0: {  	[dreg:$0x3] =	wrdreg s24  }
0xb1: {  	[dreg:$0x4] =	wrdreg s18  }
0xb2: {  	[dreg:$0x5] =	wrdreg $0x9  }
0xb3: {  	_ =	task.clear_ibuf [dreg:s8], $0x6FFFF;
	_ =	strace $0x90000046  }
0xb4: {  	s29 =	simm.s32 $0x9;
	_ =	strace $0x80000048  }
0xb5: {  	_ =	swait.ge [sflag:s29], $0x1  }
0xb6: {  	[sflag:s29] =	ssyncadd.s32 $0xFFFFFFFF  }
0xb7: {  	_ =	strace $0x90000048  }
0xb8: {  	_ =	sfence  }
0xb9: {  	s30 =	sld [smem:$0x0];
	_ =	sdelay $0x2  }
0xba: {  	s31 =	sshll.u32 s1, $0xD;
	s1 =	sshrl.u32 s1, $0x2  }
0xbb: {  	s3 =	sand.u32 $0x4000, s31;
	s1 =	sadd.s32 s1, s30  }
0xbc: {  	s0 =	sor.u32 s3, s0;
	s1 =	sshll.u32 s1, $0x11  }
0xbd: {  	s0 =	sor.u32 s1, s0  }
0xbe: {  	s0 =	sadd.s32 $0x8F2B, s0  }
0xbf: {  	[sflag:s0] =	ssyncadd.remote.s32 $0x1  }
0xc0: {  	_ =	sfence.sel $0xFFFF  }
0xc1: {  	[dreg:$0x0] =	wrdreg $0xFFFFFFFF;
	(pc) =	sbr.abs _section_cstart, $3  }
0xc2: {  	[dreg:$0x1] =	wrdreg $0xFFFFFFFF  }
0xc3: {  	_ =	task.clear_ibuf [dreg:s8], $0x2FFFF;
	_ =	strace $0x9FFFFFFF  }
0xc4: {  	(tm) =	ssettm $0x7FFFFFFF  }
0xc5: {  	_ =	shalt  }
tec
execute0_lowered:
.L_overlay_start_1:
0x0: {  	(tag) =	ssettag $0x1  }
0x1: {  	v0 =	vlaneseq.u32  }
0x2: {  	s5 =	rddreg [dreg:$0x0];
	v0 =	vmul.u32 $0x28, v0  }
0x3: {  	s3 =	rddreg [dreg:$0x1]  }
0x4: {  	s4 =	rddreg [dreg:$0x2];
	v1 =	vor.u32 $0x1, v0  }
0x5: {  	s0 =	rddreg [dreg:$0x3];
	s1 =	simm.s32 $0x0;
	s6 =	srdreg.scid;
	v2 =	vor.u32 $0x2, v0;
	v3 =	vor.u32 $0x3, v0;
	v4 =	vor.u32 $0x4, v0  }
0x6: {  	s2 =	stileid.u32;
	s11 =	simm.s32 $0x200;
	s12 =	simm.s32 $0x1;
	v5 =	vor.u32 $0x5, v0;
	v6 =	vor.u32 $0x6, v0;
	v7 =	vor.u32 $0x7, v0  }
0x7: {  	s13 =	simm.s32 $0x4200;
	s14 =	simm.s32 $0x9200;
	s15 =	simm.s32 $0xA200;
	v8 =	vadd.s32 $0x8, v0;
	v9 =	vadd.s32 $0x9, v0;
	v10 =	vadd.s32 $0xA, v0  }
0x8: {  	s16 =	simm.s32 $0xB200;
	s17 =	simm.s32 $0xC200;
	s18 =	simm.s32 $0x0;
	v11 =	vadd.s32 $0xB, v0;
	v12 =	vadd.s32 $0xC, v0;
	v13 =	vadd.s32 $0xD, v0  }
0x9: {  	[smem:$0x7FF] =	sst s1;
	s6 =	sand.u32 $0x1, s6;
	s7 =	sshll.u32 s2, $0xA;
	v14 =	vadd.s32 $0xE, v0;
	v15 =	vadd.s32 $0xF, v0;
	v16 =	vadd.s32 $0x10, v0  }
0xa: {  	s3 =	sadd.s32 $0x400, s3;
	s8 =	sshll.u32 s6, $0x9;
	s6 =	ssub.s32 $0x2, s6;
	v17 =	vadd.s32 $0x11, v0;
	v18 =	vadd.s32 $0x12, v0;
	v19 =	vadd.s32 $0x13, v0  }
0xb: {  	_ =	strace $0x80000047;
	s7 =	sor.u32 s8, s7;
	s31 =	sshrl.u32 s6, $0x1;
	v20 =	vadd.s32 $0x14, v0;
	v21 =	vadd.s32 $0x15, v0;
	v22 =	vadd.s32 $0x16, v0  }
0xc: {  	v23 =	vadd.s32 $0x17, v0;
	v24 =	vadd.s32 $0x18, v0;
	v25 =	vadd.s32 $0x19, v0;
	s9 =	sshrl.u32 s7, $0x3;
	s4 =	sadd.s32 s4, s7;
	s10 =	ssub.s32 s6, s31  }
0xd: {  	v26 =	vadd.s32 $0x1A, v0;
	v27 =	vadd.s32 $0x1B, v0;
	v28 =	vadd.s32 $0x1C, v0;
	s5 =	sadd.s32 s5, s9;
	s6 =	sadd.s32 $0x4000, s4;
	s7 =	sadd.s32 $0x8000, s4  }
0xe: {  	v29 =	vadd.s32 $0x1D, v0;
	v30 =	vadd.s32 $0x1E, v0;
	v31 =	vadd.s32 $0x1F, v0;
	s8 =	sadd.s32 $0xC000, s4;
	s9 =	smax.u32 s10, $0x1;
	s10 =	simm.s32 $0x2  }
.LBB2_1:
0xf: {  	[tilespmem:s1], [sflag:$0x2] =	stream.linear.gather [hbm4b:s5+s1], $0x200, $0x38;
	[tilespmem:$0xD200] =	vst v63  }
0x10: {  	_ =	swait.ge [sflag:s10], $0x200  }
0x11: {  	[sflag:s10] =	ssyncset.done $0x0  }
0x12: {  	[sflag:s10] =	ssyncadd.s32 $0xFFFFFE00  }
0x13: {  	[tilespmem:s11], [sflag:$0x1] =	stream.indirect.gather [hbm4b:s3+s11], $0x20, s1, s11, $0xb8;
	[tilespmem:$0xD200] =	vst v63  }
0x14: {  	_ =	swait.ge [sflag:s12], $0x4000  }
0x15: {  	[sflag:s12] =	ssyncset.done $0x0  }
0x16: {  	s19 =	simm.s32 $0x280;
	[sflag:s12] =	ssyncadd.s32 $0xFFFFC000  }
0x17: {  	v32 =	vld [tilespmem:s19+$0x60]  }
0x18: {  	v33 =	vld [tilespmem:s19+$0xFFFFFFA0]  }
0x19: {  	v34 =	vld [tilespmem:s19+$0xFFFFFFC0]  }
0x1a: {  	v35 =	vld [tilespmem:s19+$0xFFFFFFE0]  }
0x1b: {  	s20 =	simm.s32 $0x42A0;
	v36 =	vld [tilespmem:s19+$0x0]  }
0x1c: {  	v37 =	vld [tilespmem:s19+$0x20];
	[tilespmem:s20+$0x78] =	vst v32  }
0x1d: {  	v62 =	vld [tilespmem:s19+$0x40];
	[tilespmem:s20+$0xFFFFFF88] =	vst v33  }
0x1e: {  	v38 =	vld [tilespmem:s19+$0xFFFFFF80];
	[tilespmem:s20+$0xFFFFFFB0] =	vst v34  }
0x1f: {  	[tilespmem:s20+$0xFFFFFFD8] =	vst v35;
	v61 =	vld [tilespmem:s19+$0x70]  }
0x20: {  	[tilespmem:s20+$0x0] =	vst v36;
	v39 =	vld [tilespmem:s19+$0xFFFFFFB0]  }
0x21: {  	[tilespmem:s20+$0x28] =	vst v37;
	v63 =	vld [tilespmem:s19+$0xFFFFFFD0]  }
0x22: {  	[tilespmem:s20+$0x50] =	vst v62;
	v32 =	vld [tilespmem:s19+$0xFFFFFFF0]  }
0x23: {  	[tilespmem:s20+$0xFFFFFF60] =	vst v38;
	v33 =	vld [tilespmem:s19+$0x10]  }
0x24: {  	v35 =	vld [tilespmem:s19+$0x30];
	[tilespmem:s20+$0x88] =	vst v61  }
0x25: {  	v34 =	vld [tilespmem:s19+$0xFFFFFF90];
	[tilespmem:s20+$0xFFFFFF98] =	vst v39  }
0x26: {  	s21 =	simm.s32 $0x0;
	s22 =	simm.s32 $0x380;
	v36 =	vld [tilespmem:s19+$0x50];
	[tilespmem:s20+$0xFFFFFFC0] =	vst v63  }
.LBB2_2:
0x27: {  	v37 =	vld [tilespmem:s22+$0x60];
	s21 =	sadd.s32 $0x8, s21;
	[tilespmem:s20+$0xFFFFFFE8] =	vst v32  }
0x28: {  	v32 =	vld [tilespmem:s22+$0xFFFFFFA0];
	p0 =	slt.u32 s21, $0x1F8;
	[tilespmem:s20+$0x10] =	vst v33  }
0x29: {  	v33 =	vld [tilespmem:s22+$0xFFFFFFC0];
	[tilespmem:s20+$0x38] =	vst v35  }
0x2a: {  	v35 =	vld [tilespmem:s22+$0xFFFFFFE0];
	[tilespmem:s20+$0xFFFFFF70] =	vst v34  }
0x2b: {  	v34 =	vld [tilespmem:s22+$0x0];
	[tilespmem:s20+$0x60] =	vst v36;
	s20 =	sadd.s32 $0x140, s20  }
0x2c: {  	v36 =	vld [tilespmem:s22+$0x20];
	[tilespmem:s20+$0x78] =	vst v37  }
0x2d: {  	[tilespmem:s20+$0xFFFFFF88] =	vst v32;
	v37 =	vld [tilespmem:s22+$0x70]  }
0x2e: {  	[tilespmem:s20+$0xFFFFFFB0] =	vst v33;
	v38 =	vld [tilespmem:s22+$0x40]  }
0x2f: {  	v39 =	vld [tilespmem:s22+$0xFFFFFF80];
	[tilespmem:s20+$0xFFFFFFD8] =	vst v35  }
0x30: {  	v40 =	vld [tilespmem:s22+$0xFFFFFFB0];
	[tilespmem:s20+$0x0] =	vst v34  }
0x31: {  	v41 =	vld [tilespmem:s22+$0xFFFFFFD0];
	[tilespmem:s20+$0x28] =	vst v36  }
.Ltmp0:
0x32: {  	s19 =	simm.s32 $0x0;
	v32 =	vld [tilespmem:s22+$0xFFFFFFF0];
	[tilespmem:s20+$0x88] =	vst v37;
	(pc) =	sbr.rel @p0 .LBB2_2-.Ltmp0, $4  }
0x33: {  	v33 =	vld [tilespmem:s22+$0x10];
	[tilespmem:s20+$0x50] =	vst v38  }
0x34: {  	[tilespmem:s20+$0xFFFFFF60] =	vst v39;
	v35 =	vld [tilespmem:s22+$0x30]  }
0x35: {  	v34 =	vld [tilespmem:s22+$0xFFFFFF90];
	[tilespmem:s20+$0xFFFFFF98] =	vst v40  }
0x36: {  	[tilespmem:s20+$0xFFFFFFC0] =	vst v41;
	v36 =	vld [tilespmem:s22+$0x50];
	s22 =	sadd.s32 $0x100, s22  }
0x37: {  	[tilespmem:s20+$0xFFFFFFE8] =	vst v32  }
0x38: {  	[tilespmem:s20+$0x10] =	vst v33  }
0x39: {  	[tilespmem:s20+$0x38] =	vst v35  }
0x3a: {  	[tilespmem:s20+$0xFFFFFF70] =	vst v34  }
0x3b: {  	[tilespmem:s20+$0x60] =	vst v36  }
.LBB2_4:
0x3c: {  	s21 =	sshll.u32 s19, $0x4  }
0x3d: {  	v32 =	vmov s21  }
0x3e: {  	v32 =	vmul.u32 $0x28, v32;
	_ =	sdelay $0x1  }
0x3f: {  	v32 =	vbroadcast v32, $0x0;
	_ =	sdelay $0x1  }
0x40: {  	v33 =	vor.u32 v0, v32;
	_ =	sdelay $0x4  }
0x41: {  	v33 =	vld.idx.msk [tilespmem:v33+s13+$0x0], $0xffff  }
0x42: {  	v34 =	vor.u32 v1, v32;
	_ =	sdelay $0x1  }
0x43: {  	s20 =	sshll.u32 s19, $0x7  }
0x44: {  	s20 =	sand.u32 $0x3FFFFF80, s20  }
0x45: {  	[tilespmem:s20+$0x9200] =	vst v33  }
0x46: {  	v33 =	vld.idx.msk [tilespmem:v34+s13+$0x0], $0xffff  }
0x47: {  	v40 =	vor.u32 v2, v32;
	_ =	sdelay $0x3  }
0x48: {  	[tilespmem:s20+$0x9280] =	vst v33  }
0x49: {  	v33 =	vld.idx.msk [tilespmem:v40+s13+$0x0], $0xffff  }
0x4a: {  	v41 =	vor.u32 v3, v32;
	_ =	sdelay $0x3  }
0x4b: {  	[tilespmem:s20+$0x9300] =	vst v33  }
0x4c: {  	v33 =	vld.idx.msk [tilespmem:v41+s13+$0x0], $0xffff  }
0x4d: {  	v42 =	vor.u32 v4, v32;
	_ =	sdelay $0x3  }
0x4e: {  	[tilespmem:s20+$0x9380] =	vst v33  }
0x4f: {  	v33 =	vld.idx.msk [tilespmem:v42+s13+$0x0], $0xffff  }
0x50: {  	v43 =	vor.u32 v5, v32  }
0x51: {  	s22 =	sor.u32 $0x10, s21  }
0x52: {  	v35 =	vmov s22  }
0x53: {  	v35 =	vmul.u32 $0x28, v35  }
0x54: {  	[tilespmem:s20+$0x9400] =	vst v33  }
0x55: {  	v33 =	vbroadcast v35, $0x0;
	v34 =	vld.idx.msk [tilespmem:v43+s13+$0x0], $0xffff  }
0x56: {  	v44 =	vor.u32 v6, v32  }
0x57: {  	v36 =	vadd.s32 v0, v33;
	_ =	sdelay $0x2  }
0x58: {  	[tilespmem:s20+$0x9480] =	vst v34  }
0x59: {  	v34 =	vld.idx.msk [tilespmem:v44+s13+$0x0], $0xffff  }
0x5a: {  	v35 =	vld.idx.msk [tilespmem:v36+s13+$0x0], $0xffff  }
0x5b: {  	v45 =	vadd.s32 v1, v33;
	_ =	sdelay $0x3  }
0x5c: {  	[tilespmem:s20+$0x9210] =	vst v35  }
0x5d: {  	v35 =	vld.idx.msk [tilespmem:v45+s13+$0x0], $0xffff  }
0x5e: {  	v46 =	vadd.s32 v2, v33;
	_ =	sdelay $0x3  }
0x5f: {  	[tilespmem:s20+$0x9290] =	vst v35  }
0x60: {  	v35 =	vld.idx.msk [tilespmem:v46+s13+$0x0], $0xffff  }
0x61: {  	v47 =	vadd.s32 v3, v33;
	_ =	sdelay $0x3  }
0x62: {  	[tilespmem:s20+$0x9310] =	vst v35  }
0x63: {  	v35 =	vld.idx.msk [tilespmem:v47+s13+$0x0], $0xffff  }
0x64: {  	v48 =	vadd.s32 v4, v33;
	_ =	sdelay $0x3  }
0x65: {  	[tilespmem:s20+$0x9390] =	vst v35  }
0x66: {  	v35 =	vld.idx.msk [tilespmem:v48+s13+$0x0], $0xffff  }
0x67: {  	v49 =	vadd.s32 v5, v33;
	_ =	sdelay $0x3  }
0x68: {  	[tilespmem:s20+$0x9410] =	vst v35  }
0x69: {  	v35 =	vld.idx.msk [tilespmem:v49+s13+$0x0], $0xffff  }
0x6a: {  	v50 =	vadd.s32 v6, v33;
	_ =	sdelay $0x3  }
0x6b: {  	[tilespmem:s20+$0x9490] =	vst v35  }
0x6c: {  	v51 =	vor.u32 v7, v32;
	v36 =	vld.idx.msk [tilespmem:v50+s13+$0x0], $0xffff  }
0x6d: {  	v37 =	vadd.s32 v7, v33;
	_ =	sdelay $0x2  }
0x6e: {  	[tilespmem:s20+$0x9500] =	vst v34  }
0x6f: {  	v34 =	vld.idx.msk [tilespmem:v51+s13+$0x0], $0xffff;
	[tilespmem:s20+$0x9510] =	vst v36  }
0x70: {  	v52 =	vor.u32 v8, v32;
	v36 =	vld.idx.msk [tilespmem:v37+s13+$0x0], $0xffff  }
0x71: {  	v53 =	vadd.s32 v8, v33;
	_ =	sdelay $0x2  }
0x72: {  	[tilespmem:s20+$0x9580] =	vst v34  }
0x73: {  	v34 =	vld.idx.msk [tilespmem:v52+s13+$0x0], $0xffff;
	[tilespmem:s20+$0x9590] =	vst v36  }
0x74: {  	v54 =	vor.u32 v9, v32;
	v36 =	vld.idx.msk [tilespmem:v53+s13+$0x0], $0xffff  }
0x75: {  	v55 =	vadd.s32 v9, v33;
	_ =	sdelay $0x2  }
0x76: {  	[tilespmem:s20+$0xA200] =	vst v34  }
0x77: {  	v34 =	vld.idx.msk [tilespmem:v54+s13+$0x0], $0xffff;
	[tilespmem:s20+$0xA210] =	vst v36  }
0x78: {  	v56 =	vor.u32 v10, v32;
	v36 =	vld.idx.msk [tilespmem:v55+s13+$0x0], $0xffff  }
0x79: {  	v57 =	vadd.s32 v10, v33;
	_ =	sdelay $0x2  }
0x7a: {  	[tilespmem:s20+$0xA280] =	vst v34  }
0x7b: {  	v34 =	vld.idx.msk [tilespmem:v56+s13+$0x0], $0xffff;
	[tilespmem:s20+$0xA290] =	vst v36  }
0x7c: {  	v58 =	vor.u32 v11, v32;
	v36 =	vld.idx.msk [tilespmem:v57+s13+$0x0], $0xffff  }
0x7d: {  	v59 =	vadd.s32 v11, v33;
	_ =	sdelay $0x2  }
0x7e: {  	[tilespmem:s20+$0xA300] =	vst v34  }
0x7f: {  	v34 =	vld.idx.msk [tilespmem:v58+s13+$0x0], $0xffff;
	[tilespmem:s20+$0xA310] =	vst v36  }
0x80: {  	v60 =	vor.u32 v12, v32;
	v36 =	vld.idx.msk [tilespmem:v59+s13+$0x0], $0xffff  }
0x81: {  	v61 =	vadd.s32 v12, v33;
	_ =	sdelay $0x2  }
0x82: {  	[tilespmem:s20+$0xA380] =	vst v34  }
0x83: {  	v34 =	vld.idx.msk [tilespmem:v60+s13+$0x0], $0xffff;
	[tilespmem:s20+$0xA390] =	vst v36  }
0x84: {  	v62 =	vor.u32 v13, v32;
	v36 =	vld.idx.msk [tilespmem:v61+s13+$0x0], $0xffff  }
0x85: {  	v63 =	vadd.s32 v13, v33;
	_ =	sdelay $0x2  }
0x86: {  	[tilespmem:s20+$0xA400] =	vst v34  }
0x87: {  	v34 =	vld.idx.msk [tilespmem:v62+s13+$0x0], $0xffff;
	[tilespmem:s20+$0xA410] =	vst v36  }
0x88: {  	v40 =	vor.u32 v14, v32;
	v36 =	vld.idx.msk [tilespmem:v63+s13+$0x0], $0xffff  }
0x89: {  	v41 =	vadd.s32 v14, v33;
	_ =	sdelay $0x2  }
0x8a: {  	[tilespmem:s20+$0xA480] =	vst v34  }
0x8b: {  	v34 =	vld.idx.msk [tilespmem:v40+s13+$0x0], $0xffff;
	[tilespmem:s20+$0xA490] =	vst v36  }
0x8c: {  	v42 =	vor.u32 v15, v32;
	v36 =	vld.idx.msk [tilespmem:v41+s13+$0x0], $0xffff  }
0x8d: {  	v43 =	vadd.s32 v15, v33;
	_ =	sdelay $0x2  }
0x8e: {  	[tilespmem:s20+$0xA500] =	vst v34  }
0x8f: {  	v34 =	vld.idx.msk [tilespmem:v42+s13+$0x0], $0xffff;
	[tilespmem:s20+$0xA510] =	vst v36  }
0x90: {  	v44 =	vor.u32 v16, v32;
	v36 =	vld.idx.msk [tilespmem:v43+s13+$0x0], $0xffff  }
0x91: {  	v45 =	vadd.s32 v16, v33;
	_ =	sdelay $0x2  }
0x92: {  	[tilespmem:s20+$0xA580] =	vst v34  }
0x93: {  	v34 =	vld.idx.msk [tilespmem:v44+s13+$0x0], $0xffff;
	[tilespmem:s20+$0xA590] =	vst v36  }
0x94: {  	v46 =	vor.u32 v17, v32;
	v36 =	vld.idx.msk [tilespmem:v45+s13+$0x0], $0xffff  }
0x95: {  	v47 =	vadd.s32 v17, v33;
	_ =	sdelay $0x2  }
0x96: {  	[tilespmem:s20+$0xB200] =	vst v34  }
0x97: {  	v34 =	vld.idx.msk [tilespmem:v46+s13+$0x0], $0xffff;
	[tilespmem:s20+$0xB210] =	vst v36  }
0x98: {  	v48 =	vor.u32 v18, v32;
	v36 =	vld.idx.msk [tilespmem:v47+s13+$0x0], $0xffff  }
0x99: {  	v49 =	vadd.s32 v18, v33;
	_ =	sdelay $0x2  }
0x9a: {  	[tilespmem:s20+$0xB280] =	vst v34  }
0x9b: {  	v34 =	vld.idx.msk [tilespmem:v48+s13+$0x0], $0xffff;
	[tilespmem:s20+$0xB290] =	vst v36  }
0x9c: {  	v50 =	vor.u32 v19, v32;
	v36 =	vld.idx.msk [tilespmem:v49+s13+$0x0], $0xffff  }
0x9d: {  	v51 =	vadd.s32 v19, v33;
	_ =	sdelay $0x2  }
0x9e: {  	[tilespmem:s20+$0xB300] =	vst v34  }
0x9f: {  	v34 =	vld.idx.msk [tilespmem:v50+s13+$0x0], $0xffff;
	[tilespmem:s20+$0xB310] =	vst v36  }
0xa0: {  	v52 =	vor.u32 v20, v32;
	v36 =	vld.idx.msk [tilespmem:v51+s13+$0x0], $0xffff  }
0xa1: {  	v53 =	vadd.s32 v20, v33;
	_ =	sdelay $0x2  }
0xa2: {  	[tilespmem:s20+$0xB380] =	vst v34  }
0xa3: {  	v34 =	vld.idx.msk [tilespmem:v52+s13+$0x0], $0xffff;
	[tilespmem:s20+$0xB390] =	vst v36  }
0xa4: {  	v54 =	vor.u32 v21, v32;
	v36 =	vld.idx.msk [tilespmem:v53+s13+$0x0], $0xffff  }
0xa5: {  	v55 =	vadd.s32 v21, v33;
	_ =	sdelay $0x2  }
0xa6: {  	[tilespmem:s20+$0xB400] =	vst v34  }
0xa7: {  	v34 =	vld.idx.msk [tilespmem:v54+s13+$0x0], $0xffff;
	[tilespmem:s20+$0xB410] =	vst v36  }
0xa8: {  	v56 =	vor.u32 v22, v32;
	v36 =	vld.idx.msk [tilespmem:v55+s13+$0x0], $0xffff  }
0xa9: {  	v57 =	vadd.s32 v22, v33;
	_ =	sdelay $0x2  }
0xaa: {  	[tilespmem:s20+$0xB480] =	vst v34  }
0xab: {  	v34 =	vld.idx.msk [tilespmem:v56+s13+$0x0], $0xffff;
	[tilespmem:s20+$0xB490] =	vst v36  }
0xac: {  	v58 =	vor.u32 v23, v32;
	v36 =	vld.idx.msk [tilespmem:v57+s13+$0x0], $0xffff  }
0xad: {  	v59 =	vadd.s32 v23, v33;
	_ =	sdelay $0x2  }
0xae: {  	[tilespmem:s20+$0xB500] =	vst v34  }
0xaf: {  	v34 =	vld.idx.msk [tilespmem:v58+s13+$0x0], $0xffff;
	[tilespmem:s20+$0xB510] =	vst v36  }
0xb0: {  	v60 =	vor.u32 v24, v32;
	v36 =	vld.idx.msk [tilespmem:v59+s13+$0x0], $0xffff  }
0xb1: {  	v61 =	vadd.s32 v24, v33;
	_ =	sdelay $0x2  }
0xb2: {  	[tilespmem:s20+$0xB580] =	vst v34  }
0xb3: {  	v34 =	vld.idx.msk [tilespmem:v60+s13+$0x0], $0xffff;
	[tilespmem:s20+$0xB590] =	vst v36  }
0xb4: {  	v62 =	vor.u32 v25, v32;
	v36 =	vld.idx.msk [tilespmem:v61+s13+$0x0], $0xffff  }
0xb5: {  	v63 =	vadd.s32 v25, v33;
	_ =	sdelay $0x2  }
0xb6: {  	[tilespmem:s20+$0xC200] =	vst v34  }
0xb7: {  	v34 =	vld.idx.msk [tilespmem:v62+s13+$0x0], $0xffff;
	[tilespmem:s20+$0xC210] =	vst v36  }
0xb8: {  	v40 =	vor.u32 v26, v32;
	v36 =	vld.idx.msk [tilespmem:v63+s13+$0x0], $0xffff  }
0xb9: {  	v41 =	vadd.s32 v26, v33;
	_ =	sdelay $0x2  }
0xba: {  	[tilespmem:s20+$0xC280] =	vst v34  }
0xbb: {  	v34 =	vld.idx.msk [tilespmem:v40+s13+$0x0], $0xffff;
	[tilespmem:s20+$0xC290] =	vst v36  }
0xbc: {  	v42 =	vor.u32 v27, v32;
	v36 =	vld.idx.msk [tilespmem:v41+s13+$0x0], $0xffff  }
0xbd: {  	v43 =	vadd.s32 v27, v33;
	_ =	sdelay $0x2  }
0xbe: {  	[tilespmem:s20+$0xC300] =	vst v34  }
0xbf: {  	v34 =	vld.idx.msk [tilespmem:v42+s13+$0x0], $0xffff;
	[tilespmem:s20+$0xC310] =	vst v36  }
0xc0: {  	v44 =	vor.u32 v28, v32;
	v36 =	vld.idx.msk [tilespmem:v43+s13+$0x0], $0xffff  }
0xc1: {  	v45 =	vadd.s32 v28, v33;
	_ =	sdelay $0x2  }
0xc2: {  	[tilespmem:s20+$0xC380] =	vst v34  }
0xc3: {  	v34 =	vld.idx.msk [tilespmem:v44+s13+$0x0], $0xffff;
	[tilespmem:s20+$0xC390] =	vst v36  }
0xc4: {  	v46 =	vor.u32 v29, v32;
	v36 =	vld.idx.msk [tilespmem:v45+s13+$0x0], $0xffff  }
0xc5: {  	v47 =	vadd.s32 v29, v33;
	_ =	sdelay $0x2  }
0xc6: {  	[tilespmem:s20+$0xC400] =	vst v34  }
0xc7: {  	v34 =	vld.idx.msk [tilespmem:v46+s13+$0x0], $0xffff;
	[tilespmem:s20+$0xC410] =	vst v36  }
0xc8: {  	s29 =	sor.u32 $0x50, s21;
	v48 =	vor.u32 v30, v32;
	v36 =	vld.idx.msk [tilespmem:v47+s13+$0x0], $0xffff  }
0xc9: {  	s25 =	sor.u32 $0x20, s21;
	v54 =	vmov s29;
	v49 =	vadd.s32 v30, v33  }
0xca: {  	v38 =	vmov s25;
	v35 =	vmul.u32 $0x28, v54  }
0xcb: {  	s26 =	sor.u32 $0x30, s21;
	v38 =	vmul.u32 $0x28, v38  }
0xcc: {  	s28 =	sor.u32 $0x40, s21;
	v39 =	vor.u32 v31, v32;
	v50 =	vmov s26;
	v35 =	vbroadcast v35, $0x0;
	[tilespmem:s20+$0xC480] =	vst v34  }
0xcd: {  	v32 =	vbroadcast v38, $0x0;
	v52 =	vmul.u32 $0x28, v50;
	v53 =	vmov s28;
	v51 =	vld.idx.msk [tilespmem:v48+s13+$0x0], $0xffff;
	[tilespmem:s20+$0xC490] =	vst v36  }
0xce: {  	s30 =	sor.u32 $0x60, s21;
	s21 =	sor.u32 $0x70, s21;
	v40 =	vadd.s32 v31, v33;
	v44 =	vadd.s32 v0, v35;
	v34 =	vmul.u32 $0x28, v53;
	v37 =	vld.idx.msk [tilespmem:v49+s13+$0x0], $0xffff  }
0xcf: {  	v33 =	vbroadcast v52, $0x0;
	v55 =	vmov s30;
	v42 =	vmov s21  }
0xd0: {  	v34 =	vbroadcast v34, $0x0;
	v41 =	vadd.s32 v0, v32;
	v36 =	vmul.u32 $0x28, v55  }
0xd1: {  	v42 =	vmul.u32 $0x28, v42;
	v43 =	vadd.s32 v0, v33  }
0xd2: {  	v56 =	vadd.s32 v0, v34;
	[tilespmem:s20+$0xC500] =	vst v51;
	v36 =	vbroadcast v36, $0x0  }
0xd3: {  	v44 =	vld.idx.msk [tilespmem:v44+s13+$0x0], $0xffff;
	[tilespmem:s20+$0xC510] =	vst v37;
	v37 =	vbroadcast v42, $0x0  }
0xd4: {  	v39 =	vld.idx.msk [tilespmem:v39+s13+$0x0], $0xffff;
	v57 =	vadd.s32 v0, v36  }
0xd5: {  	v41 =	vld.idx.msk [tilespmem:v41+s13+$0x0], $0xffff;
	v45 =	vadd.s32 v0, v37  }
0xd6: {  	v46 =	vadd.s32 v1, v32;
	v43 =	vld.idx.msk [tilespmem:v43+s13+$0x0], $0xffff  }
0xd7: {  	v38 =	vld.idx.msk [tilespmem:v56+s13+$0x0], $0xffff;
	v47 =	vadd.s32 v1, v33  }
0xd8: {  	[tilespmem:s20+$0x9250] =	vst v44;
	v58 =	vadd.s32 v1, v34;
	v40 =	vld.idx.msk [tilespmem:v40+s13+$0x0], $0xffff  }
0xd9: {  	v59 =	vadd.s32 v1, v35;
	[tilespmem:s20+$0xC580] =	vst v39;
	v42 =	vld.idx.msk [tilespmem:v57+s13+$0x0], $0xffff  }
0xda: {  	[tilespmem:s20+$0x9220] =	vst v41;
	v60 =	vadd.s32 v1, v36;
	v45 =	vld.idx.msk [tilespmem:v45+s13+$0x0], $0xffff  }
0xdb: {  	v46 =	vld.idx.msk [tilespmem:v46+s13+$0x0], $0xffff;
	[tilespmem:s20+$0x9230] =	vst v43;
	v61 =	vadd.s32 v1, v37  }
0xdc: {  	v62 =	vadd.s32 v2, v32;
	[tilespmem:s20+$0x9240] =	vst v38;
	v47 =	vld.idx.msk [tilespmem:v47+s13+$0x0], $0xffff  }
0xdd: {  	v63 =	vadd.s32 v2, v33;
	v39 =	vld.idx.msk [tilespmem:v58+s13+$0x0], $0xffff;
	[tilespmem:s20+$0xC590] =	vst v40  }
0xde: {  	v48 =	vadd.s32 v2, v34;
	v40 =	vld.idx.msk [tilespmem:v59+s13+$0x0], $0xffff;
	[tilespmem:s20+$0x9260] =	vst v42  }
0xdf: {  	v49 =	vadd.s32 v2, v35;
	v41 =	vld.idx.msk [tilespmem:v60+s13+$0x0], $0xffff;
	[tilespmem:s20+$0x9270] =	vst v45  }
0xe0: {  	[tilespmem:s20+$0x92A0] =	vst v46;
	v50 =	vadd.s32 v2, v36;
	v43 =	vld.idx.msk [tilespmem:v61+s13+$0x0], $0xffff  }
0xe1: {  	v38 =	vld.idx.msk [tilespmem:v62+s13+$0x0], $0xffff;
	[tilespmem:s20+$0x92B0] =	vst v47;
	v51 =	vadd.s32 v2, v37  }
0xe2: {  	v52 =	vadd.s32 v3, v32;
	[tilespmem:s20+$0x92C0] =	vst v39;
	v44 =	vld.idx.msk [tilespmem:v63+s13+$0x0], $0xffff  }
0xe3: {  	v53 =	vadd.s32 v3, v33;
	v42 =	vld.idx.msk [tilespmem:v48+s13+$0x0], $0xffff;
	[tilespmem:s20+$0x92D0] =	vst v40  }
0xe4: {  	v54 =	vadd.s32 v3, v34;
	v45 =	vld.idx.msk [tilespmem:v49+s13+$0x0], $0xffff;
	[tilespmem:s20+$0x92E0] =	vst v41  }
0xe5: {  	v55 =	vadd.s32 v3, v35;
	v46 =	vld.idx.msk [tilespmem:v50+s13+$0x0], $0xffff;
	[tilespmem:s20+$0x92F0] =	vst v43  }
0xe6: {  	[tilespmem:s20+$0x9320] =	vst v38;
	v56 =	vadd.s32 v3, v36;
	v47 =	vld.idx.msk [tilespmem:v51+s13+$0x0], $0xffff  }
0xe7: {  	v39 =	vld.idx.msk [tilespmem:v52+s13+$0x0], $0xffff;
	v57 =	vadd.s32 v3, v37;
	[tilespmem:s20+$0x9330] =	vst v44  }
0xe8: {  	v58 =	vadd.s32 v4, v32;
	v40 =	vld.idx.msk [tilespmem:v53+s13+$0x0], $0xffff;
	[tilespmem:s20+$0x9340] =	vst v42  }
0xe9: {  	v59 =	vadd.s32 v4, v33;
	v41 =	vld.idx.msk [tilespmem:v54+s13+$0x0], $0xffff;
	[tilespmem:s20+$0x9350] =	vst v45  }
0xea: {  	v60 =	vadd.s32 v4, v34;
	v43 =	vld.idx.msk [tilespmem:v55+s13+$0x0], $0xffff;
	[tilespmem:s20+$0x9360] =	vst v46  }
0xeb: {  	v61 =	vadd.s32 v4, v35;
	v38 =	vld.idx.msk [tilespmem:v56+s13+$0x0], $0xffff;
	[tilespmem:s20+$0x9370] =	vst v47  }
0xec: {  	v62 =	vadd.s32 v4, v36;
	[tilespmem:s20+$0x93A0] =	vst v39;
	v44 =	vld.idx.msk [tilespmem:v57+s13+$0x0], $0xffff  }
0xed: {  	v63 =	vadd.s32 v4, v37;
	v42 =	vld.idx.msk [tilespmem:v58+s13+$0x0], $0xffff;
	[tilespmem:s20+$0x93B0] =	vst v40  }
0xee: {  	v48 =	vadd.s32 v5, v32;
	v45 =	vld.idx.msk [tilespmem:v59+s13+$0x0], $0xffff;
	[tilespmem:s20+$0x93C0] =	vst v41  }
0xef: {  	v49 =	vadd.s32 v5, v33;
	v46 =	vld.idx.msk [tilespmem:v60+s13+$0x0], $0xffff;
	[tilespmem:s20+$0x93D0] =	vst v43  }
0xf0: {  	v50 =	vadd.s32 v5, v34;
	v47 =	vld.idx.msk [tilespmem:v61+s13+$0x0], $0xffff;
	[tilespmem:s20+$0x93E0] =	vst v38  }
0xf1: {  	v51 =	vadd.s32 v5, v35;
	v39 =	vld.idx.msk [tilespmem:v62+s13+$0x0], $0xffff;
	[tilespmem:s20+$0x93F0] =	vst v44  }
0xf2: {  	v52 =	vadd.s32 v5, v36;
	[tilespmem:s20+$0x9420] =	vst v42;
	v40 =	vld.idx.msk [tilespmem:v63+s13+$0x0], $0xffff  }
0xf3: {  	v53 =	vadd.s32 v5, v37;
	v41 =	vld.idx.msk [tilespmem:v48+s13+$0x0], $0xffff;
	[tilespmem:s20+$0x9430] =	vst v45  }
0xf4: {  	v54 =	vadd.s32 v6, v32;
	v43 =	vld.idx.msk [tilespmem:v49+s13+$0x0], $0xffff;
	[tilespmem:s20+$0x9440] =	vst v46  }
0xf5: {  	v55 =	vadd.s32 v6, v33;
	v38 =	vld.idx.msk [tilespmem:v50+s13+$0x0], $0xffff;
	[tilespmem:s20+$0x9450] =	vst v47  }
0xf6: {  	v56 =	vadd.s32 v6, v34;
	v44 =	vld.idx.msk [tilespmem:v51+s13+$0x0], $0xffff;
	[tilespmem:s20+$0x9460] =	vst v39  }
0xf7: {  	v57 =	vadd.s32 v6, v35;
	v42 =	vld.idx.msk [tilespmem:v52+s13+$0x0], $0xffff;
	[tilespmem:s20+$0x9470] =	vst v40  }
0xf8: {  	v58 =	vadd.s32 v6, v36;
	[tilespmem:s20+$0x94A0] =	vst v41;
	v45 =	vld.idx.msk [tilespmem:v53+s13+$0x0], $0xffff  }
0xf9: {  	v59 =	vadd.s32 v6, v37;
	v46 =	vld.idx.msk [tilespmem:v54+s13+$0x0], $0xffff;
	[tilespmem:s20+$0x94B0] =	vst v43  }
0xfa: {  	v60 =	vadd.s32 v7, v32;
	v47 =	vld.idx.msk [tilespmem:v55+s13+$0x0], $0xffff;
	[tilespmem:s20+$0x94C0] =	vst v38  }
0xfb: {  	v61 =	vadd.s32 v7, v33;
	v39 =	vld.idx.msk [tilespmem:v56+s13+$0x0], $0xffff;
	[tilespmem:s20+$0x94D0] =	vst v44  }
0xfc: {  	v62 =	vadd.s32 v7, v34;
	v40 =	vld.idx.msk [tilespmem:v57+s13+$0x0], $0xffff;
	[tilespmem:s20+$0x94E0] =	vst v42  }
0xfd: {  	v63 =	vadd.s32 v7, v35;
	v41 =	vld.idx.msk [tilespmem:v58+s13+$0x0], $0xffff;
	[tilespmem:s20+$0x94F0] =	vst v45  }
0xfe: {  	v48 =	vadd.s32 v7, v36;
	[tilespmem:s20+$0x9520] =	vst v46;
	v43 =	vld.idx.msk [tilespmem:v59+s13+$0x0], $0xffff  }
0xff: {  	v49 =	vadd.s32 v7, v37;
	v38 =	vld.idx.msk [tilespmem:v60+s13+$0x0], $0xffff;
	[tilespmem:s20+$0x9530] =	vst v47  }
0x100: {  	v50 =	vadd.s32 v8, v32;
	v44 =	vld.idx.msk [tilespmem:v61+s13+$0x0], $0xffff;
	[tilespmem:s20+$0x9540] =	vst v39  }
0x101: {  	v51 =	vadd.s32 v8, v33;
	v42 =	vld.idx.msk [tilespmem:v62+s13+$0x0], $0xffff;
	[tilespmem:s20+$0x9550] =	vst v40  }
0x102: {  	v52 =	vadd.s32 v8, v34;
	v45 =	vld.idx.msk [tilespmem:v63+s13+$0x0], $0xffff;
	[tilespmem:s20+$0x9560] =	vst v41  }
0x103: {  	v53 =	vadd.s32 v8, v35;
	v46 =	vld.idx.msk [tilespmem:v48+s13+$0x0], $0xffff;
	[tilespmem:s20+$0x9570] =	vst v43  }
0x104: {  	v54 =	vadd.s32 v8, v36;
	[tilespmem:s20+$0x95A0] =	vst v38;
	v47 =	vld.idx.msk [tilespmem:v49+s13+$0x0], $0xffff  }
0x105: {  	v55 =	vadd.s32 v8, v37;
	v39 =	vld.idx.msk [tilespmem:v50+s13+$0x0], $0xffff;
	[tilespmem:s20+$0x95B0] =	vst v44  }
0x106: {  	v56 =	vadd.s32 v9, v32;
	v40 =	vld.idx.msk [tilespmem:v51+s13+$0x0], $0xffff;
	[tilespmem:s20+$0x95C0] =	vst v42  }
0x107: {  	v57 =	vadd.s32 v9, v33;
	v41 =	vld.idx.msk [tilespmem:v52+s13+$0x0], $0xffff;
	[tilespmem:s20+$0x95D0] =	vst v45  }
0x108: {  	v58 =	vadd.s32 v9, v34;
	v43 =	vld.idx.msk [tilespmem:v53+s13+$0x0], $0xffff;
	[tilespmem:s20+$0x95E0] =	vst v46  }
0x109: {  	v59 =	vadd.s32 v9, v35;
	v38 =	vld.idx.msk [tilespmem:v54+s13+$0x0], $0xffff;
	[tilespmem:s20+$0x95F0] =	vst v47  }
0x10a: {  	v60 =	vadd.s32 v9, v36;
	[tilespmem:s20+$0xA220] =	vst v39;
	v44 =	vld.idx.msk [tilespmem:v55+s13+$0x0], $0xffff  }
0x10b: {  	v61 =	vadd.s32 v9, v37;
	v42 =	vld.idx.msk [tilespmem:v56+s13+$0x0], $0xffff;
	[tilespmem:s20+$0xA230] =	vst v40  }
0x10c: {  	v62 =	vadd.s32 v10, v32;
	v45 =	vld.idx.msk [tilespmem:v57+s13+$0x0], $0xffff;
	[tilespmem:s20+$0xA240] =	vst v41  }
0x10d: {  	v63 =	vadd.s32 v10, v33;
	v46 =	vld.idx.msk [tilespmem:v58+s13+$0x0], $0xffff;
	[tilespmem:s20+$0xA250] =	vst v43  }
0x10e: {  	v48 =	vadd.s32 v10, v34;
	v47 =	vld.idx.msk [tilespmem:v59+s13+$0x0], $0xffff;
	[tilespmem:s20+$0xA260] =	vst v38  }
0x10f: {  	v49 =	vadd.s32 v10, v35;
	v39 =	vld.idx.msk [tilespmem:v60+s13+$0x0], $0xffff;
	[tilespmem:s20+$0xA270] =	vst v44  }
0x110: {  	v50 =	vadd.s32 v10, v36;
	[tilespmem:s20+$0xA2A0] =	vst v42;
	v40 =	vld.idx.msk [tilespmem:v61+s13+$0x0], $0xffff  }
0x111: {  	v51 =	vadd.s32 v10, v37;
	v41 =	vld.idx.msk [tilespmem:v62+s13+$0x0], $0xffff;
	[tilespmem:s20+$0xA2B0] =	vst v45  }
0x112: {  	v52 =	vadd.s32 v11, v32;
	v43 =	vld.idx.msk [tilespmem:v63+s13+$0x0], $0xffff;
	[tilespmem:s20+$0xA2C0] =	vst v46  }
0x113: {  	v53 =	vadd.s32 v11, v33;
	v38 =	vld.idx.msk [tilespmem:v48+s13+$0x0], $0xffff;
	[tilespmem:s20+$0xA2D0] =	vst v47  }
0x114: {  	v54 =	vadd.s32 v11, v34;
	v44 =	vld.idx.msk [tilespmem:v49+s13+$0x0], $0xffff;
	[tilespmem:s20+$0xA2E0] =	vst v39  }
0x115: {  	v55 =	vadd.s32 v11, v35;
	v42 =	vld.idx.msk [tilespmem:v50+s13+$0x0], $0xffff;
	[tilespmem:s20+$0xA2F0] =	vst v40  }
0x116: {  	v56 =	vadd.s32 v11, v36;
	[tilespmem:s20+$0xA320] =	vst v41;
	v45 =	vld.idx.msk [tilespmem:v51+s13+$0x0], $0xffff  }
0x117: {  	v57 =	vadd.s32 v11, v37;
	v46 =	vld.idx.msk [tilespmem:v52+s13+$0x0], $0xffff;
	[tilespmem:s20+$0xA330] =	vst v43  }
0x118: {  	v58 =	vadd.s32 v12, v32;
	v47 =	vld.idx.msk [tilespmem:v53+s13+$0x0], $0xffff;
	[tilespmem:s20+$0xA340] =	vst v38  }
0x119: {  	v59 =	vadd.s32 v12, v33;
	v39 =	vld.idx.msk [tilespmem:v54+s13+$0x0], $0xffff;
	[tilespmem:s20+$0xA350] =	vst v44  }
0x11a: {  	v60 =	vadd.s32 v12, v34;
	v40 =	vld.idx.msk [tilespmem:v55+s13+$0x0], $0xffff;
	[tilespmem:s20+$0xA360] =	vst v42  }
0x11b: {  	v61 =	vadd.s32 v12, v35;
	v41 =	vld.idx.msk [tilespmem:v56+s13+$0x0], $0xffff;
	[tilespmem:s20+$0xA370] =	vst v45  }
0x11c: {  	v62 =	vadd.s32 v12, v36;
	[tilespmem:s20+$0xA3A0] =	vst v46;
	v43 =	vld.idx.msk [tilespmem:v57+s13+$0x0], $0xffff  }
0x11d: {  	v63 =	vadd.s32 v12, v37;
	v38 =	vld.idx.msk [tilespmem:v58+s13+$0x0], $0xffff;
	[tilespmem:s20+$0xA3B0] =	vst v47  }
0x11e: {  	v48 =	vadd.s32 v13, v32;
	v44 =	vld.idx.msk [tilespmem:v59+s13+$0x0], $0xffff;
	[tilespmem:s20+$0xA3C0] =	vst v39  }
0x11f: {  	v49 =	vadd.s32 v13, v33;
	v42 =	vld.idx.msk [tilespmem:v60+s13+$0x0], $0xffff;
	[tilespmem:s20+$0xA3D0] =	vst v40  }
0x120: {  	v50 =	vadd.s32 v13, v34;
	v45 =	vld.idx.msk [tilespmem:v61+s13+$0x0], $0xffff;
	[tilespmem:s20+$0xA3E0] =	vst v41  }
0x121: {  	v51 =	vadd.s32 v13, v35;
	v46 =	vld.idx.msk [tilespmem:v62+s13+$0x0], $0xffff;
	[tilespmem:s20+$0xA3F0] =	vst v43  }
0x122: {  	v52 =	vadd.s32 v13, v36;
	[tilespmem:s20+$0xA420] =	vst v38;
	v47 =	vld.idx.msk [tilespmem:v63+s13+$0x0], $0xffff  }
0x123: {  	v53 =	vadd.s32 v13, v37;
	v39 =	vld.idx.msk [tilespmem:v48+s13+$0x0], $0xffff;
	[tilespmem:s20+$0xA430] =	vst v44  }
0x124: {  	v54 =	vadd.s32 v14, v32;
	v40 =	vld.idx.msk [tilespmem:v49+s13+$0x0], $0xffff;
	[tilespmem:s20+$0xA440] =	vst v42  }
0x125: {  	v55 =	vadd.s32 v14, v33;
	v41 =	vld.idx.msk [tilespmem:v50+s13+$0x0], $0xffff;
	[tilespmem:s20+$0xA450] =	vst v45  }
0x126: {  	v56 =	vadd.s32 v14, v34;
	v43 =	vld.idx.msk [tilespmem:v51+s13+$0x0], $0xffff;
	[tilespmem:s20+$0xA460] =	vst v46  }
0x127: {  	v57 =	vadd.s32 v14, v35;
	v38 =	vld.idx.msk [tilespmem:v52+s13+$0x0], $0xffff;
	[tilespmem:s20+$0xA470] =	vst v47  }
0x128: {  	v58 =	vadd.s32 v14, v36;
	[tilespmem:s20+$0xA4A0] =	vst v39;
	v44 =	vld.idx.msk [tilespmem:v53+s13+$0x0], $0xffff  }
0x129: {  	v59 =	vadd.s32 v14, v37;
	v42 =	vld.idx.msk [tilespmem:v54+s13+$0x0], $0xffff;
	[tilespmem:s20+$0xA4B0] =	vst v40  }
0x12a: {  	v60 =	vadd.s32 v15, v32;
	v45 =	vld.idx.msk [tilespmem:v55+s13+$0x0], $0xffff;
	[tilespmem:s20+$0xA4C0] =	vst v41  }
0x12b: {  	v61 =	vadd.s32 v15, v33;
	v46 =	vld.idx.msk [tilespmem:v56+s13+$0x0], $0xffff;
	[tilespmem:s20+$0xA4D0] =	vst v43  }
0x12c: {  	v62 =	vadd.s32 v15, v34;
	v47 =	vld.idx.msk [tilespmem:v57+s13+$0x0], $0xffff;
	[tilespmem:s20+$0xA4E0] =	vst v38  }
0x12d: {  	v63 =	vadd.s32 v15, v35;
	v39 =	vld.idx.msk [tilespmem:v58+s13+$0x0], $0xffff;
	[tilespmem:s20+$0xA4F0] =	vst v44  }
0x12e: {  	v48 =	vadd.s32 v15, v36;
	[tilespmem:s20+$0xA520] =	vst v42;
	v40 =	vld.idx.msk [tilespmem:v59+s13+$0x0], $0xffff  }
0x12f: {  	v49 =	vadd.s32 v15, v37;
	v41 =	vld.idx.msk [tilespmem:v60+s13+$0x0], $0xffff;
	[tilespmem:s20+$0xA530] =	vst v45  }
0x130: {  	v50 =	vadd.s32 v16, v32;
	v43 =	vld.idx.msk [tilespmem:v61+s13+$0x0], $0xffff;
	[tilespmem:s20+$0xA540] =	vst v46  }
0x131: {  	v51 =	vadd.s32 v16, v33;
	v38 =	vld.idx.msk [tilespmem:v62+s13+$0x0], $0xffff;
	[tilespmem:s20+$0xA550] =	vst v47  }
0x132: {  	v52 =	vadd.s32 v16, v34;
	v44 =	vld.idx.msk [tilespmem:v63+s13+$0x0], $0xffff;
	[tilespmem:s20+$0xA560] =	vst v39  }
0x133: {  	v53 =	vadd.s32 v16, v35;
	v42 =	vld.idx.msk [tilespmem:v48+s13+$0x0], $0xffff;
	[tilespmem:s20+$0xA570] =	vst v40  }
0x134: {  	v54 =	vadd.s32 v16, v36;
	[tilespmem:s20+$0xA5A0] =	vst v41;
	v45 =	vld.idx.msk [tilespmem:v49+s13+$0x0], $0xffff  }
0x135: {  	v55 =	vadd.s32 v16, v37;
	v46 =	vld.idx.msk [tilespmem:v50+s13+$0x0], $0xffff;
	[tilespmem:s20+$0xA5B0] =	vst v43  }
0x136: {  	v56 =	vadd.s32 v17, v32;
	v47 =	vld.idx.msk [tilespmem:v51+s13+$0x0], $0xffff;
	[tilespmem:s20+$0xA5C0] =	vst v38  }
0x137: {  	v57 =	vadd.s32 v17, v33;
	v39 =	vld.idx.msk [tilespmem:v52+s13+$0x0], $0xffff;
	[tilespmem:s20+$0xA5D0] =	vst v44  }
0x138: {  	v58 =	vadd.s32 v17, v34;
	v40 =	vld.idx.msk [tilespmem:v53+s13+$0x0], $0xffff;
	[tilespmem:s20+$0xA5E0] =	vst v42  }
0x139: {  	v59 =	vadd.s32 v17, v35;
	v41 =	vld.idx.msk [tilespmem:v54+s13+$0x0], $0xffff;
	[tilespmem:s20+$0xA5F0] =	vst v45  }
0x13a: {  	v60 =	vadd.s32 v17, v36;
	[tilespmem:s20+$0xB220] =	vst v46;
	v43 =	vld.idx.msk [tilespmem:v55+s13+$0x0], $0xffff  }
0x13b: {  	v61 =	vadd.s32 v17, v37;
	v38 =	vld.idx.msk [tilespmem:v56+s13+$0x0], $0xffff;
	[tilespmem:s20+$0xB230] =	vst v47  }
0x13c: {  	v62 =	vadd.s32 v18, v32;
	v44 =	vld.idx.msk [tilespmem:v57+s13+$0x0], $0xffff;
	[tilespmem:s20+$0xB240] =	vst v39  }
0x13d: {  	v63 =	vadd.s32 v18, v33;
	v42 =	vld.idx.msk [tilespmem:v58+s13+$0x0], $0xffff;
	[tilespmem:s20+$0xB250] =	vst v40  }
0x13e: {  	v48 =	vadd.s32 v18, v34;
	v45 =	vld.idx.msk [tilespmem:v59+s13+$0x0], $0xffff;
	[tilespmem:s20+$0xB260] =	vst v41  }
0x13f: {  	v49 =	vadd.s32 v18, v35;
	v46 =	vld.idx.msk [tilespmem:v60+s13+$0x0], $0xffff;
	[tilespmem:s20+$0xB270] =	vst v43  }
0x140: {  	v50 =	vadd.s32 v18, v36;
	[tilespmem:s20+$0xB2A0] =	vst v38;
	v47 =	vld.idx.msk [tilespmem:v61+s13+$0x0], $0xffff  }
0x141: {  	v51 =	vadd.s32 v18, v37;
	v39 =	vld.idx.msk [tilespmem:v62+s13+$0x0], $0xffff;
	[tilespmem:s20+$0xB2B0] =	vst v44  }
0x142: {  	v52 =	vadd.s32 v19, v32;
	v40 =	vld.idx.msk [tilespmem:v63+s13+$0x0], $0xffff;
	[tilespmem:s20+$0xB2C0] =	vst v42  }
0x143: {  	v53 =	vadd.s32 v19, v33;
	v41 =	vld.idx.msk [tilespmem:v48+s13+$0x0], $0xffff;
	[tilespmem:s20+$0xB2D0] =	vst v45  }
0x144: {  	v54 =	vadd.s32 v19, v34;
	v43 =	vld.idx.msk [tilespmem:v49+s13+$0x0], $0xffff;
	[tilespmem:s20+$0xB2E0] =	vst v46  }
0x145: {  	v55 =	vadd.s32 v19, v35;
	v38 =	vld.idx.msk [tilespmem:v50+s13+$0x0], $0xffff;
	[tilespmem:s20+$0xB2F0] =	vst v47  }
0x146: {  	v56 =	vadd.s32 v19, v36;
	[tilespmem:s20+$0xB320] =	vst v39;
	v44 =	vld.idx.msk [tilespmem:v51+s13+$0x0], $0xffff  }
0x147: {  	v57 =	vadd.s32 v19, v37;
	v42 =	vld.idx.msk [tilespmem:v52+s13+$0x0], $0xffff;
	[tilespmem:s20+$0xB330] =	vst v40  }
0x148: {  	v58 =	vadd.s32 v20, v32;
	v45 =	vld.idx.msk [tilespmem:v53+s13+$0x0], $0xffff;
	[tilespmem:s20+$0xB340] =	vst v41  }
0x149: {  	v59 =	vadd.s32 v20, v33;
	v46 =	vld.idx.msk [tilespmem:v54+s13+$0x0], $0xffff;
	[tilespmem:s20+$0xB350] =	vst v43  }
0x14a: {  	v60 =	vadd.s32 v20, v34;
	v47 =	vld.idx.msk [tilespmem:v55+s13+$0x0], $0xffff;
	[tilespmem:s20+$0xB360] =	vst v38  }
0x14b: {  	v61 =	vadd.s32 v20, v35;
	v39 =	vld.idx.msk [tilespmem:v56+s13+$0x0], $0xffff;
	[tilespmem:s20+$0xB370] =	vst v44  }
0x14c: {  	v62 =	vadd.s32 v20, v36;
	[tilespmem:s20+$0xB3A0] =	vst v42;
	v40 =	vld.idx.msk [tilespmem:v57+s13+$0x0], $0xffff  }
0x14d: {  	v63 =	vadd.s32 v20, v37;
	v41 =	vld.idx.msk [tilespmem:v58+s13+$0x0], $0xffff;
	[tilespmem:s20+$0xB3B0] =	vst v45  }
0x14e: {  	v48 =	vadd.s32 v21, v32;
	v43 =	vld.idx.msk [tilespmem:v59+s13+$0x0], $0xffff;
	[tilespmem:s20+$0xB3C0] =	vst v46  }
0x14f: {  	v49 =	vadd.s32 v21, v33;
	v38 =	vld.idx.msk [tilespmem:v60+s13+$0x0], $0xffff;
	[tilespmem:s20+$0xB3D0] =	vst v47  }
0x150: {  	v50 =	vadd.s32 v21, v34;
	v44 =	vld.idx.msk [tilespmem:v61+s13+$0x0], $0xffff;
	[tilespmem:s20+$0xB3E0] =	vst v39  }
0x151: {  	v51 =	vadd.s32 v21, v35;
	v42 =	vld.idx.msk [tilespmem:v62+s13+$0x0], $0xffff;
	[tilespmem:s20+$0xB3F0] =	vst v40  }
0x152: {  	v52 =	vadd.s32 v21, v36;
	[tilespmem:s20+$0xB420] =	vst v41;
	v45 =	vld.idx.msk [tilespmem:v63+s13+$0x0], $0xffff  }
0x153: {  	v53 =	vadd.s32 v21, v37;
	v46 =	vld.idx.msk [tilespmem:v48+s13+$0x0], $0xffff;
	[tilespmem:s20+$0xB430] =	vst v43  }
0x154: {  	v54 =	vadd.s32 v22, v32;
	v47 =	vld.idx.msk [tilespmem:v49+s13+$0x0], $0xffff;
	[tilespmem:s20+$0xB440] =	vst v38  }
0x155: {  	v55 =	vadd.s32 v22, v33;
	v39 =	vld.idx.msk [tilespmem:v50+s13+$0x0], $0xffff;
	[tilespmem:s20+$0xB450] =	vst v44  }
0x156: {  	v56 =	vadd.s32 v22, v34;
	v40 =	vld.idx.msk [tilespmem:v51+s13+$0x0], $0xffff;
	[tilespmem:s20+$0xB460] =	vst v42  }
0x157: {  	v57 =	vadd.s32 v22, v35;
	v41 =	vld.idx.msk [tilespmem:v52+s13+$0x0], $0xffff;
	[tilespmem:s20+$0xB470] =	vst v45  }
0x158: {  	v58 =	vadd.s32 v22, v36;
	[tilespmem:s20+$0xB4A0] =	vst v46;
	v43 =	vld.idx.msk [tilespmem:v53+s13+$0x0], $0xffff  }
0x159: {  	v59 =	vadd.s32 v22, v37;
	v38 =	vld.idx.msk [tilespmem:v54+s13+$0x0], $0xffff;
	[tilespmem:s20+$0xB4B0] =	vst v47  }
0x15a: {  	v60 =	vadd.s32 v23, v32;
	v44 =	vld.idx.msk [tilespmem:v55+s13+$0x0], $0xffff;
	[tilespmem:s20+$0xB4C0] =	vst v39  }
0x15b: {  	v61 =	vadd.s32 v23, v33;
	v42 =	vld.idx.msk [tilespmem:v56+s13+$0x0], $0xffff;
	[tilespmem:s20+$0xB4D0] =	vst v40  }
0x15c: {  	v62 =	vadd.s32 v23, v34;
	v45 =	vld.idx.msk [tilespmem:v57+s13+$0x0], $0xffff;
	[tilespmem:s20+$0xB4E0] =	vst v41  }
0x15d: {  	v63 =	vadd.s32 v23, v35;
	v46 =	vld.idx.msk [tilespmem:v58+s13+$0x0], $0xffff;
	[tilespmem:s20+$0xB4F0] =	vst v43  }
0x15e: {  	v48 =	vadd.s32 v23, v36;
	[tilespmem:s20+$0xB520] =	vst v38;
	v47 =	vld.idx.msk [tilespmem:v59+s13+$0x0], $0xffff  }
0x15f: {  	v49 =	vadd.s32 v23, v37;
	v39 =	vld.idx.msk [tilespmem:v60+s13+$0x0], $0xffff;
	[tilespmem:s20+$0xB530] =	vst v44  }
0x160: {  	v50 =	vadd.s32 v24, v32;
	v40 =	vld.idx.msk [tilespmem:v61+s13+$0x0], $0xffff;
	[tilespmem:s20+$0xB540] =	vst v42  }
0x161: {  	v51 =	vadd.s32 v24, v33;
	v41 =	vld.idx.msk [tilespmem:v62+s13+$0x0], $0xffff;
	[tilespmem:s20+$0xB550] =	vst v45  }
0x162: {  	v52 =	vadd.s32 v24, v34;
	v43 =	vld.idx.msk [tilespmem:v63+s13+$0x0], $0xffff;
	[tilespmem:s20+$0xB560] =	vst v46  }
0x163: {  	v53 =	vadd.s32 v24, v35;
	v38 =	vld.idx.msk [tilespmem:v48+s13+$0x0], $0xffff;
	[tilespmem:s20+$0xB570] =	vst v47  }
0x164: {  	v54 =	vadd.s32 v24, v36;
	[tilespmem:s20+$0xB5A0] =	vst v39;
	v44 =	vld.idx.msk [tilespmem:v49+s13+$0x0], $0xffff  }
0x165: {  	v55 =	vadd.s32 v24, v37;
	v42 =	vld.idx.msk [tilespmem:v50+s13+$0x0], $0xffff;
	[tilespmem:s20+$0xB5B0] =	vst v40  }
0x166: {  	v56 =	vadd.s32 v25, v32;
	v45 =	vld.idx.msk [tilespmem:v51+s13+$0x0], $0xffff;
	[tilespmem:s20+$0xB5C0] =	vst v41  }
0x167: {  	v57 =	vadd.s32 v25, v33;
	v46 =	vld.idx.msk [tilespmem:v52+s13+$0x0], $0xffff;
	[tilespmem:s20+$0xB5D0] =	vst v43  }
0x168: {  	v58 =	vadd.s32 v25, v34;
	v47 =	vld.idx.msk [tilespmem:v53+s13+$0x0], $0xffff;
	[tilespmem:s20+$0xB5E0] =	vst v38  }
0x169: {  	v59 =	vadd.s32 v25, v35;
	v39 =	vld.idx.msk [tilespmem:v54+s13+$0x0], $0xffff;
	[tilespmem:s20+$0xB5F0] =	vst v44  }
0x16a: {  	v60 =	vadd.s32 v25, v36;
	[tilespmem:s20+$0xC220] =	vst v42;
	v40 =	vld.idx.msk [tilespmem:v55+s13+$0x0], $0xffff  }
0x16b: {  	v61 =	vadd.s32 v25, v37;
	v41 =	vld.idx.msk [tilespmem:v56+s13+$0x0], $0xffff;
	[tilespmem:s20+$0xC230] =	vst v45  }
0x16c: {  	v62 =	vadd.s32 v26, v32;
	v43 =	vld.idx.msk [tilespmem:v57+s13+$0x0], $0xffff;
	[tilespmem:s20+$0xC240] =	vst v46  }
0x16d: {  	v63 =	vadd.s32 v26, v33;
	v38 =	vld.idx.msk [tilespmem:v58+s13+$0x0], $0xffff;
	[tilespmem:s20+$0xC250] =	vst v47  }
0x16e: {  	v48 =	vadd.s32 v26, v34;
	v44 =	vld.idx.msk [tilespmem:v59+s13+$0x0], $0xffff;
	[tilespmem:s20+$0xC260] =	vst v39  }
0x16f: {  	v49 =	vadd.s32 v26, v35;
	v42 =	vld.idx.msk [tilespmem:v60+s13+$0x0], $0xffff;
	[tilespmem:s20+$0xC270] =	vst v40  }
0x170: {  	v50 =	vadd.s32 v26, v36;
	[tilespmem:s20+$0xC2A0] =	vst v41;
	v45 =	vld.idx.msk [tilespmem:v61+s13+$0x0], $0xffff  }
0x171: {  	v51 =	vadd.s32 v26, v37;
	v46 =	vld.idx.msk [tilespmem:v62+s13+$0x0], $0xffff;
	[tilespmem:s20+$0xC2B0] =	vst v43  }
0x172: {  	v52 =	vadd.s32 v27, v32;
	v47 =	vld.idx.msk [tilespmem:v63+s13+$0x0], $0xffff;
	[tilespmem:s20+$0xC2C0] =	vst v38  }
0x173: {  	v53 =	vadd.s32 v27, v33;
	v39 =	vld.idx.msk [tilespmem:v48+s13+$0x0], $0xffff;
	[tilespmem:s20+$0xC2D0] =	vst v44  }
0x174: {  	v54 =	vadd.s32 v27, v34;
	v40 =	vld.idx.msk [tilespmem:v49+s13+$0x0], $0xffff;
	[tilespmem:s20+$0xC2E0] =	vst v42  }
0x175: {  	v55 =	vadd.s32 v27, v35;
	v41 =	vld.idx.msk [tilespmem:v50+s13+$0x0], $0xffff;
	[tilespmem:s20+$0xC2F0] =	vst v45  }
0x176: {  	v56 =	vadd.s32 v27, v36;
	[tilespmem:s20+$0xC320] =	vst v46;
	v43 =	vld.idx.msk [tilespmem:v51+s13+$0x0], $0xffff  }
0x177: {  	v57 =	vadd.s32 v27, v37;
	v38 =	vld.idx.msk [tilespmem:v52+s13+$0x0], $0xffff;
	[tilespmem:s20+$0xC330] =	vst v47  }
0x178: {  	v58 =	vadd.s32 v28, v32;
	v44 =	vld.idx.msk [tilespmem:v53+s13+$0x0], $0xffff;
	[tilespmem:s20+$0xC340] =	vst v39  }
0x179: {  	v59 =	vadd.s32 v28, v33;
	v42 =	vld.idx.msk [tilespmem:v54+s13+$0x0], $0xffff;
	[tilespmem:s20+$0xC350] =	vst v40  }
0x17a: {  	v60 =	vadd.s32 v28, v34;
	v45 =	vld.idx.msk [tilespmem:v55+s13+$0x0], $0xffff;
	[tilespmem:s20+$0xC360] =	vst v41  }
0x17b: {  	v61 =	vadd.s32 v28, v35;
	v46 =	vld.idx.msk [tilespmem:v56+s13+$0x0], $0xffff;
	[tilespmem:s20+$0xC370] =	vst v43  }
0x17c: {  	v62 =	vadd.s32 v28, v36;
	[tilespmem:s20+$0xC3A0] =	vst v38;
	v47 =	vld.idx.msk [tilespmem:v57+s13+$0x0], $0xffff  }
0x17d: {  	v63 =	vadd.s32 v28, v37;
	v39 =	vld.idx.msk [tilespmem:v58+s13+$0x0], $0xffff;
	[tilespmem:s20+$0xC3B0] =	vst v44  }
0x17e: {  	v48 =	vadd.s32 v29, v32;
	v40 =	vld.idx.msk [tilespmem:v59+s13+$0x0], $0xffff;
	[tilespmem:s20+$0xC3C0] =	vst v42  }
0x17f: {  	v49 =	vadd.s32 v29, v33;
	v41 =	vld.idx.msk [tilespmem:v60+s13+$0x0], $0xffff;
	[tilespmem:s20+$0xC3D0] =	vst v45  }
0x180: {  	v50 =	vadd.s32 v29, v34;
	v43 =	vld.idx.msk [tilespmem:v61+s13+$0x0], $0xffff;
	[tilespmem:s20+$0xC3E0] =	vst v46  }
0x181: {  	v51 =	vadd.s32 v29, v35;
	v38 =	vld.idx.msk [tilespmem:v62+s13+$0x0], $0xffff;
	[tilespmem:s20+$0xC3F0] =	vst v47  }
0x182: {  	v52 =	vadd.s32 v29, v36;
	[tilespmem:s20+$0xC420] =	vst v39;
	v44 =	vld.idx.msk [tilespmem:v63+s13+$0x0], $0xffff  }
0x183: {  	v53 =	vadd.s32 v29, v37;
	v42 =	vld.idx.msk [tilespmem:v48+s13+$0x0], $0xffff;
	[tilespmem:s20+$0xC430] =	vst v40  }
0x184: {  	v54 =	vadd.s32 v30, v32;
	v45 =	vld.idx.msk [tilespmem:v49+s13+$0x0], $0xffff;
	[tilespmem:s20+$0xC440] =	vst v41  }
0x185: {  	v55 =	vadd.s32 v30, v33;
	v46 =	vld.idx.msk [tilespmem:v50+s13+$0x0], $0xffff;
	[tilespmem:s20+$0xC450] =	vst v43  }
0x186: {  	v56 =	vadd.s32 v30, v34;
	v47 =	vld.idx.msk [tilespmem:v51+s13+$0x0], $0xffff;
	[tilespmem:s20+$0xC460] =	vst v38  }
0x187: {  	v57 =	vadd.s32 v30, v35;
	v39 =	vld.idx.msk [tilespmem:v52+s13+$0x0], $0xffff;
	[tilespmem:s20+$0xC470] =	vst v44  }
0x188: {  	v58 =	vadd.s32 v30, v36;
	[tilespmem:s20+$0xC4A0] =	vst v42;
	v40 =	vld.idx.msk [tilespmem:v53+s13+$0x0], $0xffff  }
0x189: {  	v59 =	vadd.s32 v30, v37;
	v41 =	vld.idx.msk [tilespmem:v54+s13+$0x0], $0xffff;
	[tilespmem:s20+$0xC4B0] =	vst v45  }
0x18a: {  	v32 =	vadd.s32 v31, v32;
	v43 =	vld.idx.msk [tilespmem:v55+s13+$0x0], $0xffff;
	[tilespmem:s20+$0xC4C0] =	vst v46  }
0x18b: {  	v33 =	vadd.s32 v31, v33;
	v38 =	vld.idx.msk [tilespmem:v56+s13+$0x0], $0xffff;
	[tilespmem:s20+$0xC4D0] =	vst v47  }
0x18c: {  	v34 =	vadd.s32 v31, v34;
	v60 =	vld.idx.msk [tilespmem:v57+s13+$0x0], $0xffff;
	[tilespmem:s20+$0xC4E0] =	vst v39  }
0x18d: {  	v35 =	vadd.s32 v31, v35;
	v61 =	vld.idx.msk [tilespmem:v58+s13+$0x0], $0xffff;
	[tilespmem:s20+$0xC4F0] =	vst v40  }
0x18e: {  	v36 =	vadd.s32 v31, v36;
	[tilespmem:s20+$0xC520] =	vst v41;
	v62 =	vld.idx.msk [tilespmem:v59+s13+$0x0], $0xffff  }
0x18f: {  	v37 =	vadd.s32 v31, v37;
	v32 =	vld.idx.msk [tilespmem:v32+s13+$0x0], $0xffff;
	[tilespmem:s20+$0xC530] =	vst v43  }
0x190: {  	v33 =	vld.idx.msk [tilespmem:v33+s13+$0x0], $0xffff;
	[tilespmem:s20+$0xC540] =	vst v38  }
0x191: {  	v34 =	vld.idx.msk [tilespmem:v34+s13+$0x0], $0xffff;
	[tilespmem:s20+$0xC550] =	vst v60  }
0x192: {  	v35 =	vld.idx.msk [tilespmem:v35+s13+$0x0], $0xffff;
	[tilespmem:s20+$0xC560] =	vst v61  }
0x193: {  	v36 =	vld.idx.msk [tilespmem:v36+s13+$0x0], $0xffff;
	[tilespmem:s20+$0xC570] =	vst v62  }
0x194: {  	p0 =	slt.u32 s19, $0x18;
	[tilespmem:s20+$0xC5A0] =	vst v32;
	v63 =	vld.idx.msk [tilespmem:v37+s13+$0x0], $0xffff  }
.Ltmp1:
0x195: {  	[tilespmem:s20+$0xC5B0] =	vst v33;
	(pc) =	sbr.rel @p0 .LBB2_4-.Ltmp1, $4  }
0x196: {  	[tilespmem:s20+$0xC5C0] =	vst v34  }
0x197: {  	[tilespmem:s20+$0xC5D0] =	vst v35  }
0x198: {  	s31 =	sadd.s32 $0x8, s19;
	[tilespmem:s20+$0xC5E0] =	vst v36  }
0x199: {  	s19 =	smov.u32 s31;
	[tilespmem:s20+$0xC5F0] =	vst v63  }
0x19a: {  	[hbm4b:s4+s1] =	stream.linear.scatter [tilespmem:s14], [sflag:$0x2], $0x1000, $0x38;
	[tilespmem:$0xD200] =	vst v63  }
0x19b: {  	_ =	swait.ge [sflag:s10], $0x1000  }
0x19c: {  	[sflag:s10] =	ssyncset.done $0x0  }
0x19d: {  	[sflag:s10] =	ssyncadd.s32 $0xFFFFF000  }
0x19e: {  	[hbm4b:s6+s1] =	stream.linear.scatter [tilespmem:s15], [sflag:$0x2], $0x1000, $0x38;
	[tilespmem:$0xD200] =	vst v63  }
0x19f: {  	_ =	swait.ge [sflag:s10], $0x1000  }
0x1a0: {  	[sflag:s10] =	ssyncset.done $0x0  }
0x1a1: {  	[sflag:s10] =	ssyncadd.s32 $0xFFFFF000  }
0x1a2: {  	[hbm4b:s7+s1] =	stream.linear.scatter [tilespmem:s16], [sflag:$0x2], $0x1000, $0x38;
	[tilespmem:$0xD200] =	vst v63  }
0x1a3: {  	s18 =	sadd.s32 $0x1, s18;
	_ =	swait.ge [sflag:s10], $0x1000  }
0x1a4: {  	p0 =	sne.s32 s18, s9;
	[sflag:s10] =	ssyncset.done $0x0  }
.Ltmp2:
0x1a5: {  	[sflag:s10] =	ssyncadd.s32 $0xFFFFF000;
	(pc) =	sbr.rel @p0 .LBB2_1-.Ltmp2, $4  }
0x1a6: {  	[hbm4b:s8+s1] =	stream.linear.scatter [tilespmem:s17], [sflag:$0x2], $0x1000, $0x38;
	[tilespmem:$0xD200] =	vst v63  }
0x1a7: {  	_ =	swait.ge [sflag:s10], $0x1000  }
0x1a8: {  	[sflag:s10] =	ssyncset.done $0x0  }
0x1a9: {  	[sflag:s10] =	ssyncadd.s32 $0xFFFFF000  }
0x1aa: {  	_ =	sfence.sel $0x180000  }
0x1ab: {  	[bflag:$0x0] =	sbarrier.arrive $0xFFFF  }
0x1ac: {  	p0 =	sne.s32 s2, $0x0;
	_ =	strace $0x90000047  }
0x1ad: {  	s0 =	sadd.s32 @!p0 $0x100000, s0;
	[bflag:$0x2] =	sbarrier.arrive $0xFFFF  }
0x1ae: {  	[sflag:s0] =	ssyncadd.tile.s32 @!p0 $0x1;
	_ =	shalt  }
.Lfunc_end2:
_tile_overlayer_lowered:
.L_overlay_start_2:
0x1af: {  	(tag) =	ssettag $0x2  }
0x1b0: {  	s0 =	rddreg [dreg:$0x0];
	s2 =	stileid.u32  }
0x1b1: {  	s1 =	rddreg [dreg:$0x1];
	p0 =	sne.s32 s2, $0x0  }
0x1b2: {  	s3 =	rddreg [dreg:$0x2];
	[bflag:$0x3] =	sbarrier.arrive $0xFFFF;
	s2 =	simm.s32 @!p0 $0x1C02  }
0x1b3: {  	[timem:s3], [sflag:s2] =	dma.local @!p0 [hbm:s0], s1  }
0x1b4: {  	s0 =	simm.s32 @!p0 $0x2  }
0x1b5: {  	_ =	swait.ge @!p0 [sflag:s0], s1  }
0x1b6: {  	s1 =	ssub.s32 @!p0 $0x0, s1;
	[sflag:s0] =	ssyncset.done @!p0 $0x0  }
0x1b7: {  	[sflag:s0] =	ssyncadd.s32 @!p0 s1  }
0x1b8: {  	[bflag:$0x3] =	sbarrier.arrive $0xFFFF  }
0x1b9: {  	_ =	shalt  }

</sc_bundles>
